<compile_context>
chip_gen: v7x
topology: tpu7x:2x2x1
jax: 0.10.2.dev20260603
libtpu: 0.0.44.dev20260713+nightly
codegen_flags: <defaults>
</compile_context>

<pallas_src>
import functools

import jax
import jax.numpy as jnp
from jax import lax
from jax.experimental import pallas as pl
from jax.experimental.pallas import tpu as pltpu
from jax.experimental.pallas import tpu_sc as plsc

N = 10000
D = 128
H = 8
E = 320000
W = 144
NS = 16
CHUNK = 32
CH = 640
IBLK = 32
NBUF = 8
NBLK = CH // IBLK
EPT = CH * CHUNK
E_PAD = NS * EPT
RPT = 625
BLK = 400
NT = N + BLK
INV_H = 1.0 / H



def _table_body(x_ref, wv_ref, bv_ref, wm_ref, bm_ref, out_ref):
    i = pl.program_id(0)
    x = x_ref[...]
    v = jnp.dot(x, wv_ref[...], preferred_element_type=jnp.float32) + bv_ref[...]
    vm = jnp.dot(v, wm_ref[...], preferred_element_type=jnp.float32) + bm_ref[...]
    col = lax.broadcasted_iota(jnp.int32, (BLK, W - D), 1)
    one_pad = jnp.where(col == 0, 1.0, 0.0)
    row = jnp.concatenate([vm * INV_H, one_pad], axis=1)
    out_ref[...] = row * jnp.where(i < N // BLK, 1.0, 0.0)


def _vm_table(x, Wv, bv, Wm, bm):
    return pl.pallas_call(
        _table_body,
        grid=(N // BLK + 1,),
        in_specs=[
            pl.BlockSpec((BLK, D), lambda i: (jnp.minimum(i, N // BLK - 1), 0)),
            pl.BlockSpec((D, D), lambda i: (0, 0)),
            pl.BlockSpec((1, D), lambda i: (0, 0)),
            pl.BlockSpec((D, D), lambda i: (0, 0)),
            pl.BlockSpec((1, D), lambda i: (0, 0)),
        ],
        out_specs=pl.BlockSpec((BLK, W), lambda i: (i, 0)),
        out_shape=jax.ShapeDtypeStruct((NT, W), jnp.float32),
    )(x, Wv, bv.reshape(1, D), Wm, bm.reshape(1, D))


def _out_body(acc_ref, x_ref, wo_ref, bo_ref, y_ref):
    a = acc_ref[...]
    cnt = jnp.maximum(a[:, D:D + 1], 1.0)
    norm = a[:, :D] / cnt
    y = jnp.dot(norm, wo_ref[...], preferred_element_type=jnp.float32)
    y_ref[...] = jnp.maximum(y + bo_ref[...] + x_ref[...], 0.0)


def _project_out(acc, x, Wo, bo):
    return pl.pallas_call(
        _out_body,
        grid=(N // BLK,),
        in_specs=[
            pl.BlockSpec((BLK, W), lambda i: (i, 0)),
            pl.BlockSpec((BLK, D), lambda i: (i, 0)),
            pl.BlockSpec((D, D), lambda i: (0, 0)),
            pl.BlockSpec((1, D), lambda i: (0, 0)),
        ],
        out_specs=pl.BlockSpec((BLK, D), lambda i: (i, 0)),
        out_shape=jax.ShapeDtypeStruct((N, D), jnp.float32),
    )(acc, x, Wo, bo.reshape(1, D))



def _sc_body(table_p, sidx_p, didx_p, table_r, sidx_r, didx_r, zeros_h,
             out_p, out_r,
             sidx_v, didx_v, rows_a, rows_b, rows_c, rows_d, rows_e, rows_f,
             rows_g, rows_h2, acc,
             sem_a, sem_b, sem_c, sem_d, sem_e, sem_f, sem_g, sem_h2):
    rows = (rows_a, rows_b, rows_c, rows_d, rows_e, rows_f, rows_g, rows_h2)
    sems = (sem_a, sem_b, sem_c, sem_d, sem_e, sem_f, sem_g, sem_h2)
    c = lax.axis_index("c")
    s = lax.axis_index("s")

    def run(table_h, sidx_h, didx_h, out_h):
        pltpu.sync_copy(zeros_h, acc.at[pl.ds(s * RPT, RPT)])
        plsc.subcore_barrier()

        @pl.loop(0, NBLK)
        def _(b):
            base = s * CH + b * IBLK
            pltpu.sync_copy(sidx_h.at[pl.ds(base, IBLK)], sidx_v)
            pltpu.sync_copy(didx_h.at[pl.ds(base, IBLK)], didx_v)

            for p in range(NBUF - 1):
                pltpu.async_copy(table_h.at[sidx_v.at[p]], rows[p], sems[p])

            @pl.loop(0, IBLK, step=NBUF)
            def _(j):
                for p in range(NBUF):
                    pltpu.make_async_copy(table_h.at[sidx_v.at[j + p]],
                                          rows[p], sems[p]).wait()
                    q = (p + NBUF - 1) % NBUF

                    @pl.when(j + p + NBUF - 1 < IBLK)
                    def _():
                        pltpu.async_copy(
                            table_h.at[sidx_v.at[j + p + NBUF - 1]],
                            rows[q], sems[q])

                    pltpu.sync_copy(rows[p], acc.at[didx_v.at[j + p]],
                                    add=True)

        plsc.subcore_barrier()
        pltpu.sync_copy(acc.at[pl.ds(s * RPT, RPT)], out_h.at[pl.ds(s * RPT, RPT)])

    @pl.when(c == 0)
    def _():
        run(table_p, sidx_p, didx_p, out_p)

    @pl.when(c == 1)
    def _():
        run(table_r, sidx_r, didx_r, out_r)


_sc_scatter = functools.partial(
    pl.kernel,
    out_type=[jax.ShapeDtypeStruct((N, W), jnp.float32),
              jax.ShapeDtypeStruct((N, W), jnp.float32)],
    mesh=plsc.VectorSubcoreMesh(core_axis_name="c", subcore_axis_name="s"),
    compiler_params=pltpu.CompilerParams(use_tc_tiling_on_sc=False),
    scratch_types=[
        pltpu.VMEM((IBLK, CHUNK), jnp.int32),
        pltpu.VMEM((IBLK, CHUNK), jnp.int32),
        pltpu.VMEM((CHUNK, W), jnp.float32),
        pltpu.VMEM((CHUNK, W), jnp.float32),
        pltpu.VMEM((CHUNK, W), jnp.float32),
        pltpu.VMEM((CHUNK, W), jnp.float32),
        pltpu.VMEM((CHUNK, W), jnp.float32),
        pltpu.VMEM((CHUNK, W), jnp.float32),
        pltpu.VMEM((CHUNK, W), jnp.float32),
        pltpu.VMEM((CHUNK, W), jnp.float32),
        pltpu.VMEM_SHARED((N, W), jnp.float32),
        pltpu.SemaphoreType.DMA,
        pltpu.SemaphoreType.DMA,
        pltpu.SemaphoreType.DMA,
        pltpu.SemaphoreType.DMA,
        pltpu.SemaphoreType.DMA,
        pltpu.SemaphoreType.DMA,
        pltpu.SemaphoreType.DMA,
        pltpu.SemaphoreType.DMA,
    ],
)(_sc_body)


def _pad_idx(row, fill):
    pad = jnp.full((E_PAD - E,), fill, jnp.int32)
    return jnp.concatenate([row, pad]).reshape(NS * CH, CHUNK)



def kernel(x_user, x_game, edge_index_played, edge_index_rev,
           Wk_u, bk_u, Wq_u, bq_u, Wv_u, bv_u, Wo_u, bo_u,
           Wk_g, bk_g, Wq_g, bq_g, Wv_g, bv_g, Wo_g, bo_g,
           Wa_p, ba_p, Wm_p, bm_p, Wa_r, ba_r, Wm_r, bm_r):
    table_p = _vm_table(x_user, Wv_u, bv_u, Wm_p, bm_p)
    table_r = _vm_table(x_game, Wv_g, bv_g, Wm_r, bm_r)

    sidx_p = _pad_idx(edge_index_played[0], N)
    didx_p = _pad_idx(edge_index_played[1], 0)
    sidx_r = _pad_idx(edge_index_rev[0], N)
    didx_r = _pad_idx(edge_index_rev[1], 0)

    zeros_h = jnp.zeros((RPT, W), jnp.float32)
    acc_p, acc_r = _sc_scatter(table_p, sidx_p, didx_p,
                               table_r, sidx_r, didx_r, zeros_h)

    y_g = _project_out(acc_p, x_game, Wo_g, bo_g)
    y_u = _project_out(acc_r, x_user, Wo_u, bo_u)
    return (y_u, y_g)

# --- scband reference (transcript-rebuilt; emitter-appended) ---
"""Pipeline reference for scband-hgtconv-25881472925720 (READ-ONLY COPY).

The authoritative reference and input builder live on the scoring server;
editing this copy changes nothing except your own understanding.
"""

import jax, jax.numpy as jnp
import numpy as np

N = 10000
E = 320000
D = 128
H = 8
SCALE = float(np.sqrt(D // H))


def setup_inputs(seed: int = 0):
    key = jax.random.key(seed)
    ks = jax.random.split(key, 24)
    ctr = iter(range(24))

    def nrm(shape, s=0.05):
        return jax.random.normal(ks[next(ctr)], shape, dtype=jnp.float32) * s

    inp = {}
    inp['x_user'] = jax.random.normal(ks[next(ctr)], (N, D), dtype=jnp.float32)
    inp['x_game'] = jax.random.normal(ks[next(ctr)], (N, D), dtype=jnp.float32)
    inp['edge_index_played'] = jax.random.randint(ks[next(ctr)], (2, E), 0, N, dtype=jnp.int32)
    inp['edge_index_rev'] = jax.random.randint(ks[next(ctr)], (2, E), 0, N, dtype=jnp.int32)
    for t in ['u', 'g']:
        inp['Wk_' + t] = nrm((D, D)); inp['bk_' + t] = jnp.zeros((D,), jnp.float32)
        inp['Wq_' + t] = nrm((D, D)); inp['bq_' + t] = jnp.zeros((D,), jnp.float32)
        inp['Wv_' + t] = nrm((D, D)); inp['bv_' + t] = jnp.zeros((D,), jnp.float32)
        inp['Wo_' + t] = nrm((D, D)); inp['bo_' + t] = jnp.zeros((D,), jnp.float32)
    for e in ['p', 'r']:
        inp['Wa_' + e] = nrm((D, H)); inp['ba_' + e] = jnp.zeros((H,), jnp.float32)
        inp['Wm_' + e] = nrm((D, D)); inp['bm_' + e] = jnp.zeros((D,), jnp.float32)
    return inp


def _relation(k_src, q_dst, v_src, ei, Wa, ba, Wm, bm, n_dst):
    s = ei[0]
    d = ei[1]
    attn_in = k_src[s] * q_dst[d]
    scores = (attn_in @ Wa + ba) / SCALE
    aw = jax.nn.softmax(scores, axis=-1)
    msgs = v_src[s] @ Wm + bm
    wmsg = msgs * jnp.mean(aw, axis=-1, keepdims=True)
    out = jnp.zeros((n_dst, D), jnp.float32).at[d].add(wmsg)
    cnt = jnp.zeros((n_dst, 1), jnp.float32).at[d].add(1.0)
    return out, cnt


def reference(x_user, x_game, edge_index_played, edge_index_rev,
              Wk_u, bk_u, Wq_u, bq_u, Wv_u, bv_u, Wo_u, bo_u,
              Wk_g, bk_g, Wq_g, bq_g, Wv_g, bv_g, Wo_g, bo_g,
              Wa_p, ba_p, Wm_p, bm_p, Wa_r, ba_r, Wm_r, bm_r):
    k_u = x_user @ Wk_u + bk_u
    q_u = x_user @ Wq_u + bq_u
    v_u = x_user @ Wv_u + bv_u
    k_g = x_game @ Wk_g + bk_g
    q_g = x_game @ Wq_g + bq_g
    v_g = x_game @ Wv_g + bv_g
    # relation user --played--> game
    out_g, cnt_g = _relation(k_u, q_g, v_u, edge_index_played, Wa_p, ba_p, Wm_p, bm_p, N)
    # relation game --rev_played--> user
    out_u, cnt_u = _relation(k_g, q_u, v_g, edge_index_rev, Wa_r, ba_r, Wm_r, bm_r, N)
    norm_u = out_u / jnp.clip(cnt_u, 1.0)
    norm_g = out_g / jnp.clip(cnt_g, 1.0)
    y_u = jax.nn.relu(norm_u @ Wo_u + bo_u + x_user)
    y_g = jax.nn.relu(norm_g @ Wo_g + bo_g + x_game)
    return (y_u, y_g)

if __name__ == "__main__":
    import jax
    _d = setup_inputs()
    print(jax.jit(kernel)(*tuple(_d.values())))

</pallas_src>

<mosaic_0001>
#map = affine_map<(d0, d1) -> (0, 0)>
module attributes {stable_mosaic.version = 14 : i64} {
  func.func @_sc_body(%arg0: i32, %arg1: i32, %arg2: memref<10400x144xf32, #tpu.memory_space<hbm>>, %arg3: memref<10240x32xi32, #tpu.memory_space<hbm>>, %arg4: memref<10240x32xi32, #tpu.memory_space<hbm>>, %arg5: memref<10400x144xf32, #tpu.memory_space<hbm>>, %arg6: memref<10240x32xi32, #tpu.memory_space<hbm>>, %arg7: memref<10240x32xi32, #tpu.memory_space<hbm>>, %arg8: memref<625x144xf32, #tpu.memory_space<hbm>>, %arg9: memref<10000x144xf32, #tpu.memory_space<hbm>>, %arg10: memref<10000x144xf32, #tpu.memory_space<hbm>>, %arg11: memref<32x32xi32, #tpu.memory_space<vmem>>, %arg12: memref<32x32xi32, #tpu.memory_space<vmem>>, %arg13: memref<32x144xf32, #tpu.memory_space<vmem>>, %arg14: memref<32x144xf32, #tpu.memory_space<vmem>>, %arg15: memref<32x144xf32, #tpu.memory_space<vmem>>, %arg16: memref<32x144xf32, #tpu.memory_space<vmem>>, %arg17: memref<32x144xf32, #tpu.memory_space<vmem>>, %arg18: memref<32x144xf32, #tpu.memory_space<vmem>>, %arg19: memref<32x144xf32, #tpu.memory_space<vmem>>, %arg20: memref<32x144xf32, #tpu.memory_space<vmem>>, %arg21: memref<10000x144xf32, #tpu.memory_space<vmem_shared>>, %arg22: memref<!tpu.dma_semaphore, #tpu.memory_space<semaphore_mem>>, %arg23: memref<!tpu.dma_semaphore, #tpu.memory_space<semaphore_mem>>, %arg24: memref<!tpu.dma_semaphore, #tpu.memory_space<semaphore_mem>>, %arg25: memref<!tpu.dma_semaphore, #tpu.memory_space<semaphore_mem>>, %arg26: memref<!tpu.dma_semaphore, #tpu.memory_space<semaphore_mem>>, %arg27: memref<!tpu.dma_semaphore, #tpu.memory_space<semaphore_mem>>, %arg28: memref<!tpu.dma_semaphore, #tpu.memory_space<semaphore_mem>>, %arg29: memref<!tpu.dma_semaphore, #tpu.memory_space<semaphore_mem>>) attributes {dimension_semantics = [#tpu.dimension_semantics<core_parallel>, #tpu.dimension_semantics<subcore_parallel>], iteration_bounds = array<i64: 2, 16>, scalar_prefetch = 0 : i64, scratch_operands = 19 : i64, tpu.core_type = #tpu.core_type<sc_vector_subcore>, window_params = [{transform_indices = #map}, {transform_indices = #map}, {transform_indices = #map}, {transform_indices = #map}, {transform_indices = #map}, {transform_indices = #map}, {transform_indices = #map}, {transform_indices = #map}, {transform_indices = #map}]} {
    %eq3A = arith.constant 0 : i32
    %eq3A_0 = arith.cmpi eq, %arg0, %eq3A : i32
    %convert_element_type3A = arith.extui %eq3A_0 : i1 to i32
    %cond3A = arith.constant 0 : i32
    %cond3A_1 = arith.cmpi ne, %convert_element_type3A, %cond3A : i32
    scf.if %cond3A_1 {
      %mul3A = arith.constant 625 : i32
      %mul3A_7 = arith.muli %arg1, %mul3A : i32
      "tpu.region"() ({
        %run_scoped3A = tpu.sem_alloc : memref<!tpu.dma_semaphore, #tpu.memory_space<semaphore_mem>>
        %dma_start3A = arith.constant 0 : i32
        %dma_start3A_17 = tpu.memref_slice %arg21[%mul3A_7, %dma_start3A] : memref<10000x144xf32, #tpu.memory_space<vmem_shared>> -> memref<625x144xf32, #tpu.memory_space<vmem_shared>>
        tpu.enqueue_dma source(%arg8 : memref<625x144xf32, #tpu.memory_space<hbm>>) target(%dma_start3A_17 : memref<625x144xf32, #tpu.memory_space<vmem_shared>>) target_semaphore(%run_scoped3A : memref<!tpu.dma_semaphore, #tpu.memory_space<semaphore_mem>>)
        %dma_wait3A = arith.constant 0 : i32
        %dma_wait3A_18 = tpu.memref_slice %arg21[%mul3A_7, %dma_wait3A] : memref<10000x144xf32, #tpu.memory_space<vmem_shared>> -> memref<625x144xf32, #tpu.memory_space<vmem_shared>>
        tpu.wait_dma2 semaphore(%run_scoped3A : memref<!tpu.dma_semaphore, #tpu.memory_space<semaphore_mem>>) src(%arg8 : memref<625x144xf32, #tpu.memory_space<hbm>>) dst(%dma_wait3A_18 : memref<625x144xf32, #tpu.memory_space<vmem_shared>>)
        tpu.yield
      }) : () -> ()
      %barrier3A = arith.constant 0 : index
      tpu.barrier barrier_id(%barrier3A)
      %scan3A = arith.constant 0 : i32
      %scan3A_8 = arith.constant 20 : i32
      %scan3A_9 = arith.addi %scan3A, %scan3A_8 : i32
      %scan3A_10 = arith.constant 1 : i32
      scf.for %scan3A_17 = %scan3A to %scan3A_9 step %scan3A_10  : i32 {
        %mul3A_18 = arith.constant 1 : i32
        %mul3A_19 = arith.muli %scan3A_17, %mul3A_18 : i32
        %add3A = arith.constant 0 : i32
        %add3A_20 = arith.addi %add3A, %mul3A_19 : i32
        %mul3A_21 = arith.constant 640 : i32
        %mul3A_22 = arith.muli %arg1, %mul3A_21 : i32
        %mul3A_23 = arith.constant 32 : i32
        %mul3A_24 = arith.muli %add3A_20, %mul3A_23 : i32
        %add3A_25 = arith.addi %mul3A_22, %mul3A_24 : i32
        "tpu.region"() ({
          %run_scoped3A = tpu.sem_alloc : memref<!tpu.dma_semaphore, #tpu.memory_space<semaphore_mem>>
          %dma_start3A_79 = arith.constant 0 : i32
          %dma_start3A_80 = tpu.memref_slice %arg3[%add3A_25, %dma_start3A_79] : memref<10240x32xi32, #tpu.memory_space<hbm>> -> memref<32x32xi32, #tpu.memory_space<hbm>>
          %dma_start3A_81 = arith.constant 0 : i32
          %dma_start3A_82 = tpu.memref_slice %arg3[%add3A_25, %dma_start3A_81] : memref<10240x32xi32, #tpu.memory_space<hbm>> -> memref<32x32xi32, #tpu.memory_space<hbm>>
          tpu.enqueue_dma source(%dma_start3A_82 : memref<32x32xi32, #tpu.memory_space<hbm>>) target(%arg11 : memref<32x32xi32, #tpu.memory_space<vmem>>) target_semaphore(%run_scoped3A : memref<!tpu.dma_semaphore, #tpu.memory_space<semaphore_mem>>)
          %dma_wait3A = arith.constant 0 : i32
          %dma_wait3A_83 = tpu.memref_slice %arg3[%add3A_25, %dma_wait3A] : memref<10240x32xi32, #tpu.memory_space<hbm>> -> memref<32x32xi32, #tpu.memory_space<hbm>>
          %dma_wait3A_84 = arith.constant 0 : i32
          %dma_wait3A_85 = tpu.memref_slice %arg3[%add3A_25, %dma_wait3A_84] : memref<10240x32xi32, #tpu.memory_space<hbm>> -> memref<32x32xi32, #tpu.memory_space<hbm>>
          tpu.wait_dma2 semaphore(%run_scoped3A : memref<!tpu.dma_semaphore, #tpu.memory_space<semaphore_mem>>) src(%dma_wait3A_85 : memref<32x32xi32, #tpu.memory_space<hbm>>) dst(%arg11 : memref<32x32xi32, #tpu.memory_space<vmem>>)
          tpu.yield
        }) : () -> ()
        "tpu.region"() ({
          %run_scoped3A = tpu.sem_alloc : memref<!tpu.dma_semaphore, #tpu.memory_space<semaphore_mem>>
          %dma_start3A_79 = arith.constant 0 : i32
          %dma_start3A_80 = tpu.memref_slice %arg4[%add3A_25, %dma_start3A_79] : memref<10240x32xi32, #tpu.memory_space<hbm>> -> memref<32x32xi32, #tpu.memory_space<hbm>>
          %dma_start3A_81 = arith.constant 0 : i32
          %dma_start3A_82 = tpu.memref_slice %arg4[%add3A_25, %dma_start3A_81] : memref<10240x32xi32, #tpu.memory_space<hbm>> -> memref<32x32xi32, #tpu.memory_space<hbm>>
          tpu.enqueue_dma source(%dma_start3A_82 : memref<32x32xi32, #tpu.memory_space<hbm>>) target(%arg12 : memref<32x32xi32, #tpu.memory_space<vmem>>) target_semaphore(%run_scoped3A : memref<!tpu.dma_semaphore, #tpu.memory_space<semaphore_mem>>)
          %dma_wait3A = arith.constant 0 : i32
          %dma_wait3A_83 = tpu.memref_slice %arg4[%add3A_25, %dma_wait3A] : memref<10240x32xi32, #tpu.memory_space<hbm>> -> memref<32x32xi32, #tpu.memory_space<hbm>>
          %dma_wait3A_84 = arith.constant 0 : i32
          %dma_wait3A_85 = tpu.memref_slice %arg4[%add3A_25, %dma_wait3A_84] : memref<10240x32xi32, #tpu.memory_space<hbm>> -> memref<32x32xi32, #tpu.memory_space<hbm>>
          tpu.wait_dma2 semaphore(%run_scoped3A : memref<!tpu.dma_semaphore, #tpu.memory_space<semaphore_mem>>) src(%dma_wait3A_85 : memref<32x32xi32, #tpu.memory_space<hbm>>) dst(%arg12 : memref<32x32xi32, #tpu.memory_space<vmem>>)
          tpu.yield
        }) : () -> ()
        %dma_start3A = arith.constant 0 : i32
        %dma_start3A_26 = arith.constant 0 : i32
        %dma_start3A_27 = tpu.memref_slice %arg11[%dma_start3A, %dma_start3A_26] : memref<32x32xi32, #tpu.memory_space<vmem>> -> memref<1x32xi32, #tpu.memory_space<vmem>>
        %dma_start3A_28 = tpu.memref_squeeze %dma_start3A_27 : memref<1x32xi32, #tpu.memory_space<vmem>> -> memref<32xi32, #tpu.memory_space<vmem>>
        %dma_start3A_29 = arith.constant 0 : i32
        %dma_start3A_30 = arith.constant 0 : i32
        %dma_start3A_31 = tpu.memref_slice %arg2[%dma_start3A_29, %dma_start3A_30] : memref<10400x144xf32, #tpu.memory_space<hbm>> -> memref<10400x144xf32, #tpu.memory_space<hbm>>
        tpu.enqueue_indirect_dma source(%dma_start3A_31 : memref<10400x144xf32, #tpu.memory_space<hbm>>) target(%arg13 : memref<32x144xf32, #tpu.memory_space<vmem>>) offsets(%dma_start3A_28 : memref<32xi32, #tpu.memory_space<vmem>>) semaphore(%arg22 : memref<!tpu.dma_semaphore, #tpu.memory_space<semaphore_mem>>)
        %dma_start3A_32 = arith.constant 1 : i32
        %dma_start3A_33 = arith.constant 0 : i32
        %dma_start3A_34 = tpu.memref_slice %arg11[%dma_start3A_32, %dma_start3A_33] : memref<32x32xi32, #tpu.memory_space<vmem>> -> memref<1x32xi32, #tpu.memory_space<vmem>>
        %dma_start3A_35 = tpu.memref_squeeze %dma_start3A_34 : memref<1x32xi32, #tpu.memory_space<vmem>> -> memref<32xi32, #tpu.memory_space<vmem>>
        %dma_start3A_36 = arith.constant 0 : i32
        %dma_start3A_37 = arith.constant 0 : i32
        %dma_start3A_38 = tpu.memref_slice %arg2[%dma_start3A_36, %dma_start3A_37] : memref<10400x144xf32, #tpu.memory_space<hbm>> -> memref<10400x144xf32, #tpu.memory_space<hbm>>
        tpu.enqueue_indirect_dma source(%dma_start3A_38 : memref<10400x144xf32, #tpu.memory_space<hbm>>) target(%arg14 : memref<32x144xf32, #tpu.memory_space<vmem>>) offsets(%dma_start3A_35 : memref<32xi32, #tpu.memory_space<vmem>>) semaphore(%arg23 : memref<!tpu.dma_semaphore, #tpu.memory_space<semaphore_mem>>)
        %dma_start3A_39 = arith.constant 2 : i32
        %dma_start3A_40 = arith.constant 0 : i32
        %dma_start3A_41 = tpu.memref_slice %arg11[%dma_start3A_39, %dma_start3A_40] : memref<32x32xi32, #tpu.memory_space<vmem>> -> memref<1x32xi32, #tpu.memory_space<vmem>>
        %dma_start3A_42 = tpu.memref_squeeze %dma_start3A_41 : memref<1x32xi32, #tpu.memory_space<vmem>> -> memref<32xi32, #tpu.memory_space<vmem>>
        %dma_start3A_43 = arith.constant 0 : i32
        %dma_start3A_44 = arith.constant 0 : i32
        %dma_start3A_45 = tpu.memref_slice %arg2[%dma_start3A_43, %dma_start3A_44] : memref<10400x144xf32, #tpu.memory_space<hbm>> -> memref<10400x144xf32, #tpu.memory_space<hbm>>
        tpu.enqueue_indirect_dma source(%dma_start3A_45 : memref<10400x144xf32, #tpu.memory_space<hbm>>) target(%arg15 : memref<32x144xf32, #tpu.memory_space<vmem>>) offsets(%dma_start3A_42 : memref<32xi32, #tpu.memory_space<vmem>>) semaphore(%arg24 : memref<!tpu.dma_semaphore, #tpu.memory_space<semaphore_mem>>)
        %dma_start3A_46 = arith.constant 3 : i32
        %dma_start3A_47 = arith.constant 0 : i32
        %dma_start3A_48 = tpu.memref_slice %arg11[%dma_start3A_46, %dma_start3A_47] : memref<32x32xi32, #tpu.memory_space<vmem>> -> memref<1x32xi32, #tpu.memory_space<vmem>>
        %dma_start3A_49 = tpu.memref_squeeze %dma_start3A_48 : memref<1x32xi32, #tpu.memory_space<vmem>> -> memref<32xi32, #tpu.memory_space<vmem>>
        %dma_start3A_50 = arith.constant 0 : i32
        %dma_start3A_51 = arith.constant 0 : i32
        %dma_start3A_52 = tpu.memref_slice %arg2[%dma_start3A_50, %dma_start3A_51] : memref<10400x144xf32, #tpu.memory_space<hbm>> -> memref<10400x144xf32, #tpu.memory_space<hbm>>
        tpu.enqueue_indirect_dma source(%dma_start3A_52 : memref<10400x144xf32, #tpu.memory_space<hbm>>) target(%arg16 : memref<32x144xf32, #tpu.memory_space<vmem>>) offsets(%dma_start3A_49 : memref<32xi32, #tpu.memory_space<vmem>>) semaphore(%arg25 : memref<!tpu.dma_semaphore, #tpu.memory_space<semaphore_mem>>)
        %dma_start3A_53 = arith.constant 4 : i32
        %dma_start3A_54 = arith.constant 0 : i32
        %dma_start3A_55 = tpu.memref_slice %arg11[%dma_start3A_53, %dma_start3A_54] : memref<32x32xi32, #tpu.memory_space<vmem>> -> memref<1x32xi32, #tpu.memory_space<vmem>>
        %dma_start3A_56 = tpu.memref_squeeze %dma_start3A_55 : memref<1x32xi32, #tpu.memory_space<vmem>> -> memref<32xi32, #tpu.memory_space<vmem>>
        %dma_start3A_57 = arith.constant 0 : i32
        %dma_start3A_58 = arith.constant 0 : i32
        %dma_start3A_59 = tpu.memref_slice %arg2[%dma_start3A_57, %dma_start3A_58] : memref<10400x144xf32, #tpu.memory_space<hbm>> -> memref<10400x144xf32, #tpu.memory_space<hbm>>
        tpu.enqueue_indirect_dma source(%dma_start3A_59 : memref<10400x144xf32, #tpu.memory_space<hbm>>) target(%arg17 : memref<32x144xf32, #tpu.memory_space<vmem>>) offsets(%dma_start3A_56 : memref<32xi32, #tpu.memory_space<vmem>>) semaphore(%arg26 : memref<!tpu.dma_semaphore, #tpu.memory_space<semaphore_mem>>)
        %dma_start3A_60 = arith.constant 5 : i32
        %dma_start3A_61 = arith.constant 0 : i32
        %dma_start3A_62 = tpu.memref_slice %arg11[%dma_start3A_60, %dma_start3A_61] : memref<32x32xi32, #tpu.memory_space<vmem>> -> memref<1x32xi32, #tpu.memory_space<vmem>>
        %dma_start3A_63 = tpu.memref_squeeze %dma_start3A_62 : memref<1x32xi32, #tpu.memory_space<vmem>> -> memref<32xi32, #tpu.memory_space<vmem>>
        %dma_start3A_64 = arith.constant 0 : i32
        %dma_start3A_65 = arith.constant 0 : i32
        %dma_start3A_66 = tpu.memref_slice %arg2[%dma_start3A_64, %dma_start3A_65] : memref<10400x144xf32, #tpu.memory_space<hbm>> -> memref<10400x144xf32, #tpu.memory_space<hbm>>
        tpu.enqueue_indirect_dma source(%dma_start3A_66 : memref<10400x144xf32, #tpu.memory_space<hbm>>) target(%arg18 : memref<32x144xf32, #tpu.memory_space<vmem>>) offsets(%dma_start3A_63 : memref<32xi32, #tpu.memory_space<vmem>>) semaphore(%arg27 : memref<!tpu.dma_semaphore, #tpu.memory_space<semaphore_mem>>)
        %dma_start3A_67 = arith.constant 6 : i32
        %dma_start3A_68 = arith.constant 0 : i32
        %dma_start3A_69 = tpu.memref_slice %arg11[%dma_start3A_67, %dma_start3A_68] : memref<32x32xi32, #tpu.memory_space<vmem>> -> memref<1x32xi32, #tpu.memory_space<vmem>>
        %dma_start3A_70 = tpu.memref_squeeze %dma_start3A_69 : memref<1x32xi32, #tpu.memory_space<vmem>> -> memref<32xi32, #tpu.memory_space<vmem>>
        %dma_start3A_71 = arith.constant 0 : i32
        %dma_start3A_72 = arith.constant 0 : i32
        %dma_start3A_73 = tpu.memref_slice %arg2[%dma_start3A_71, %dma_start3A_72] : memref<10400x144xf32, #tpu.memory_space<hbm>> -> memref<10400x144xf32, #tpu.memory_space<hbm>>
        tpu.enqueue_indirect_dma source(%dma_start3A_73 : memref<10400x144xf32, #tpu.memory_space<hbm>>) target(%arg19 : memref<32x144xf32, #tpu.memory_space<vmem>>) offsets(%dma_start3A_70 : memref<32xi32, #tpu.memory_space<vmem>>) semaphore(%arg28 : memref<!tpu.dma_semaphore, #tpu.memory_space<semaphore_mem>>)
        %scan3A_74 = arith.constant 0 : i32
        %scan3A_75 = arith.constant 4 : i32
        %scan3A_76 = arith.addi %scan3A_74, %scan3A_75 : i32
        %scan3A_77 = arith.constant 1 : i32
        scf.for %scan3A_79 = %scan3A_74 to %scan3A_76 step %scan3A_77  : i32 {
          %mul3A_80 = arith.constant 8 : i32
          %mul3A_81 = arith.muli %scan3A_79, %mul3A_80 : i32
          %add3A_82 = arith.constant 0 : i32
          %add3A_83 = arith.addi %add3A_82, %mul3A_81 : i32
          %add3A_84 = arith.constant 0 : i32
          %add3A_85 = arith.addi %add3A_83, %add3A_84 : i32
          %dma_wait3A = arith.constant 0 : i32
          %dma_wait3A_86 = tpu.memref_slice %arg11[%add3A_85, %dma_wait3A] : memref<32x32xi32, #tpu.memory_space<vmem>> -> memref<1x32xi32, #tpu.memory_space<vmem>>
          %dma_wait3A_87 = tpu.memref_squeeze %dma_wait3A_86 : memref<1x32xi32, #tpu.memory_space<vmem>> -> memref<32xi32, #tpu.memory_space<vmem>>
          %dma_wait3A_88 = arith.constant 0 : i32
          %dma_wait3A_89 = arith.constant 0 : i32
          %dma_wait3A_90 = tpu.memref_slice %arg2[%dma_wait3A_88, %dma_wait3A_89] : memref<10400x144xf32, #tpu.memory_space<hbm>> -> memref<10400x144xf32, #tpu.memory_space<hbm>>
          tpu.wait_indirect_dma semaphore(%arg22 : memref<!tpu.dma_semaphore, #tpu.memory_space<semaphore_mem>>) src(%dma_wait3A_90 : memref<10400x144xf32, #tpu.memory_space<hbm>>) dst(%arg13 : memref<32x144xf32, #tpu.memory_space<vmem>>)
          %add3A_91 = arith.constant 0 : i32
          %add3A_92 = arith.addi %add3A_83, %add3A_91 : i32
          %add3A_93 = arith.constant 8 : i32
          %add3A_94 = arith.addi %add3A_92, %add3A_93 : i32
          %sub3A = arith.constant 1 : i32
          %sub3A_95 = arith.subi %add3A_94, %sub3A : i32
          %lt3A = arith.constant 32 : i32
          %lt3A_96 = arith.cmpi slt, %sub3A_95, %lt3A : i32
          %convert_element_type3A_97 = arith.extui %lt3A_96 : i1 to i32
          %cond3A_98 = arith.constant 0 : i32
          %cond3A_99 = arith.cmpi ne, %convert_element_type3A_97, %cond3A_98 : i32
          scf.if %cond3A_99 {
            %add3A_249 = arith.constant 0 : i32
            %add3A_250 = arith.addi %add3A_83, %add3A_249 : i32
            %add3A_251 = arith.constant 8 : i32
            %add3A_252 = arith.addi %add3A_250, %add3A_251 : i32
            %sub3A_253 = arith.constant 1 : i32
            %sub3A_254 = arith.subi %add3A_252, %sub3A_253 : i32
            %dma_start3A_255 = arith.constant 0 : i32
            %dma_start3A_256 = tpu.memref_slice %arg11[%sub3A_254, %dma_start3A_255] : memref<32x32xi32, #tpu.memory_space<vmem>> -> memref<1x32xi32, #tpu.memory_space<vmem>>
            %dma_start3A_257 = tpu.memref_squeeze %dma_start3A_256 : memref<1x32xi32, #tpu.memory_space<vmem>> -> memref<32xi32, #tpu.memory_space<vmem>>
            %dma_start3A_258 = arith.constant 0 : i32
            %dma_start3A_259 = arith.constant 0 : i32
            %dma_start3A_260 = tpu.memref_slice %arg2[%dma_start3A_258, %dma_start3A_259] : memref<10400x144xf32, #tpu.memory_space<hbm>> -> memref<10400x144xf32, #tpu.memory_space<hbm>>
            tpu.enqueue_indirect_dma source(%dma_start3A_260 : memref<10400x144xf32, #tpu.memory_space<hbm>>) target(%arg20 : memref<32x144xf32, #tpu.memory_space<vmem>>) offsets(%dma_start3A_257 : memref<32xi32, #tpu.memory_space<vmem>>) semaphore(%arg29 : memref<!tpu.dma_semaphore, #tpu.memory_space<semaphore_mem>>)
          } else {
          }
          %add3A_100 = arith.constant 0 : i32
          %add3A_101 = arith.addi %add3A_83, %add3A_100 : i32
          "tpu.region"() ({
            %run_scoped3A = tpu.sem_alloc : memref<!tpu.dma_semaphore, #tpu.memory_space<semaphore_mem>>
            %dma_start3A_249 = arith.constant 0 : i32
            %dma_start3A_250 = tpu.memref_slice %arg12[%add3A_101, %dma_start3A_249] : memref<32x32xi32, #tpu.memory_space<vmem>> -> memref<1x32xi32, #tpu.memory_space<vmem>>
            %dma_start3A_251 = tpu.memref_squeeze %dma_start3A_250 : memref<1x32xi32, #tpu.memory_space<vmem>> -> memref<32xi32, #tpu.memory_space<vmem>>
            %dma_start3A_252 = arith.constant 0 : i32
            %dma_start3A_253 = arith.constant 0 : i32
            %dma_start3A_254 = tpu.memref_slice %arg21[%dma_start3A_252, %dma_start3A_253] : memref<10000x144xf32, #tpu.memory_space<vmem_shared>> -> memref<10000x144xf32, #tpu.memory_space<vmem_shared>>
            tpu.enqueue_indirect_dma source(%arg13 : memref<32x144xf32, #tpu.memory_space<vmem>>) target(%dma_start3A_254 : memref<10000x144xf32, #tpu.memory_space<vmem_shared>>) offsets(%dma_start3A_251 : memref<32xi32, #tpu.memory_space<vmem>>) semaphore(%run_scoped3A : memref<!tpu.dma_semaphore, #tpu.memory_space<semaphore_mem>>) {add = true}
            %dma_wait3A_255 = arith.constant 0 : i32
            %dma_wait3A_256 = tpu.memref_slice %arg12[%add3A_101, %dma_wait3A_255] : memref<32x32xi32, #tpu.memory_space<vmem>> -> memref<1x32xi32, #tpu.memory_space<vmem>>
            %dma_wait3A_257 = tpu.memref_squeeze %dma_wait3A_256 : memref<1x32xi32, #tpu.memory_space<vmem>> -> memref<32xi32, #tpu.memory_space<vmem>>
            %dma_wait3A_258 = arith.constant 0 : i32
            %dma_wait3A_259 = arith.constant 0 : i32
            %dma_wait3A_260 = tpu.memref_slice %arg21[%dma_wait3A_258, %dma_wait3A_259] : memref<10000x144xf32, #tpu.memory_space<vmem_shared>> -> memref<10000x144xf32, #tpu.memory_space<vmem_shared>>
            tpu.wait_indirect_dma semaphore(%run_scoped3A : memref<!tpu.dma_semaphore, #tpu.memory_space<semaphore_mem>>) src(%arg13 : memref<32x144xf32, #tpu.memory_space<vmem>>) dst(%dma_wait3A_260 : memref<10000x144xf32, #tpu.memory_space<vmem_shared>>)
            tpu.yield
          }) : () -> ()
          %add3A_102 = arith.constant 1 : i32
          %add3A_103 = arith.addi %add3A_83, %add3A_102 : i32
          %dma_wait3A_104 = arith.constant 0 : i32
          %dma_wait3A_105 = tpu.memref_slice %arg11[%add3A_103, %dma_wait3A_104] : memref<32x32xi32, #tpu.memory_space<vmem>> -> memref<1x32xi32, #tpu.memory_space<vmem>>
          %dma_wait3A_106 = tpu.memref_squeeze %dma_wait3A_105 : memref<1x32xi32, #tpu.memory_space<vmem>> -> memref<32xi32, #tpu.memory_space<vmem>>
          %dma_wait3A_107 = arith.constant 0 : i32
          %dma_wait3A_108 = arith.constant 0 : i32
          %dma_wait3A_109 = tpu.memref_slice %arg2[%dma_wait3A_107, %dma_wait3A_108] : memref<10400x144xf32, #tpu.memory_space<hbm>> -> memref<10400x144xf32, #tpu.memory_space<hbm>>
          tpu.wait_indirect_dma semaphore(%arg23 : memref<!tpu.dma_semaphore, #tpu.memory_space<semaphore_mem>>) src(%dma_wait3A_109 : memref<10400x144xf32, #tpu.memory_space<hbm>>) dst(%arg14 : memref<32x144xf32, #tpu.memory_space<vmem>>)
          %add3A_110 = arith.constant 1 : i32
          %add3A_111 = arith.addi %add3A_83, %add3A_110 : i32
          %add3A_112 = arith.constant 8 : i32
          %add3A_113 = arith.addi %add3A_111, %add3A_112 : i32
          %sub3A_114 = arith.constant 1 : i32
          %sub3A_115 = arith.subi %add3A_113, %sub3A_114 : i32
          %lt3A_116 = arith.constant 32 : i32
          %lt3A_117 = arith.cmpi slt, %sub3A_115, %lt3A_116 : i32
          %convert_element_type3A_118 = arith.extui %lt3A_117 : i1 to i32
          %cond3A_119 = arith.constant 0 : i32
          %cond3A_120 = arith.cmpi ne, %convert_element_type3A_118, %cond3A_119 : i32
          scf.if %cond3A_120 {
            %add3A_249 = arith.constant 1 : i32
            %add3A_250 = arith.addi %add3A_83, %add3A_249 : i32
            %add3A_251 = arith.constant 8 : i32
            %add3A_252 = arith.addi %add3A_250, %add3A_251 : i32
            %sub3A_253 = arith.constant 1 : i32
            %sub3A_254 = arith.subi %add3A_252, %sub3A_253 : i32
            %dma_start3A_255 = arith.constant 0 : i32
            %dma_start3A_256 = tpu.memref_slice %arg11[%sub3A_254, %dma_start3A_255] : memref<32x32xi32, #tpu.memory_space<vmem>> -> memref<1x32xi32, #tpu.memory_space<vmem>>
            %dma_start3A_257 = tpu.memref_squeeze %dma_start3A_256 : memref<1x32xi32, #tpu.memory_space<vmem>> -> memref<32xi32, #tpu.memory_space<vmem>>
            %dma_start3A_258 = arith.constant 0 : i32
            %dma_start3A_259 = arith.constant 0 : i32
            %dma_start3A_260 = tpu.memref_slice %arg2[%dma_start3A_258, %dma_start3A_259] : memref<10400x144xf32, #tpu.memory_space<hbm>> -> memref<10400x144xf32, #tpu.memory_space<hbm>>
            tpu.enqueue_indirect_dma source(%dma_start3A_260 : memref<10400x144xf32, #tpu.memory_space<hbm>>) target(%arg13 : memref<32x144xf32, #tpu.memory_space<vmem>>) offsets(%dma_start3A_257 : memref<32xi32, #tpu.memory_space<vmem>>) semaphore(%arg22 : memref<!tpu.dma_semaphore, #tpu.memory_space<semaphore_mem>>)
          } else {
          }
          %add3A_121 = arith.constant 1 : i32
          %add3A_122 = arith.addi %add3A_83, %add3A_121 : i32
          "tpu.region"() ({
            %run_scoped3A = tpu.sem_alloc : memref<!tpu.dma_semaphore, #tpu.memory_space<semaphore_mem>>
            %dma_start3A_249 = arith.constant 0 : i32
            %dma_start3A_250 = tpu.memref_slice %arg12[%add3A_122, %dma_start3A_249] : memref<32x32xi32, #tpu.memory_space<vmem>> -> memref<1x32xi32, #tpu.memory_space<vmem>>
            %dma_start3A_251 = tpu.memref_squeeze %dma_start3A_250 : memref<1x32xi32, #tpu.memory_space<vmem>> -> memref<32xi32, #tpu.memory_space<vmem>>
            %dma_start3A_252 = arith.constant 0 : i32
            %dma_start3A_253 = arith.constant 0 : i32
            %dma_start3A_254 = tpu.memref_slice %arg21[%dma_start3A_252, %dma_start3A_253] : memref<10000x144xf32, #tpu.memory_space<vmem_shared>> -> memref<10000x144xf32, #tpu.memory_space<vmem_shared>>
            tpu.enqueue_indirect_dma source(%arg14 : memref<32x144xf32, #tpu.memory_space<vmem>>) target(%dma_start3A_254 : memref<10000x144xf32, #tpu.memory_space<vmem_shared>>) offsets(%dma_start3A_251 : memref<32xi32, #tpu.memory_space<vmem>>) semaphore(%run_scoped3A : memref<!tpu.dma_semaphore, #tpu.memory_space<semaphore_mem>>) {add = true}
            %dma_wait3A_255 = arith.constant 0 : i32
            %dma_wait3A_256 = tpu.memref_slice %arg12[%add3A_122, %dma_wait3A_255] : memref<32x32xi32, #tpu.memory_space<vmem>> -> memref<1x32xi32, #tpu.memory_space<vmem>>
            %dma_wait3A_257 = tpu.memref_squeeze %dma_wait3A_256 : memref<1x32xi32, #tpu.memory_space<vmem>> -> memref<32xi32, #tpu.memory_space<vmem>>
            %dma_wait3A_258 = arith.constant 0 : i32
            %dma_wait3A_259 = arith.constant 0 : i32
            %dma_wait3A_260 = tpu.memref_slice %arg21[%dma_wait3A_258, %dma_wait3A_259] : memref<10000x144xf32, #tpu.memory_space<vmem_shared>> -> memref<10000x144xf32, #tpu.memory_space<vmem_shared>>
            tpu.wait_indirect_dma semaphore(%run_scoped3A : memref<!tpu.dma_semaphore, #tpu.memory_space<semaphore_mem>>) src(%arg14 : memref<32x144xf32, #tpu.memory_space<vmem>>) dst(%dma_wait3A_260 : memref<10000x144xf32, #tpu.memory_space<vmem_shared>>)
            tpu.yield
          }) : () -> ()
          %add3A_123 = arith.constant 2 : i32
          %add3A_124 = arith.addi %add3A_83, %add3A_123 : i32
          %dma_wait3A_125 = arith.constant 0 : i32
          %dma_wait3A_126 = tpu.memref_slice %arg11[%add3A_124, %dma_wait3A_125] : memref<32x32xi32, #tpu.memory_space<vmem>> -> memref<1x32xi32, #tpu.memory_space<vmem>>
          %dma_wait3A_127 = tpu.memref_squeeze %dma_wait3A_126 : memref<1x32xi32, #tpu.memory_space<vmem>> -> memref<32xi32, #tpu.memory_space<vmem>>
          %dma_wait3A_128 = arith.constant 0 : i32
          %dma_wait3A_129 = arith.constant 0 : i32
          %dma_wait3A_130 = tpu.memref_slice %arg2[%dma_wait3A_128, %dma_wait3A_129] : memref<10400x144xf32, #tpu.memory_space<hbm>> -> memref<10400x144xf32, #tpu.memory_space<hbm>>
          tpu.wait_indirect_dma semaphore(%arg24 : memref<!tpu.dma_semaphore, #tpu.memory_space<semaphore_mem>>) src(%dma_wait3A_130 : memref<10400x144xf32, #tpu.memory_space<hbm>>) dst(%arg15 : memref<32x144xf32, #tpu.memory_space<vmem>>)
          %add3A_131 = arith.constant 2 : i32
          %add3A_132 = arith.addi %add3A_83, %add3A_131 : i32
          %add3A_133 = arith.constant 8 : i32
          %add3A_134 = arith.addi %add3A_132, %add3A_133 : i32
          %sub3A_135 = arith.constant 1 : i32
          %sub3A_136 = arith.subi %add3A_134, %sub3A_135 : i32
          %lt3A_137 = arith.constant 32 : i32
          %lt3A_138 = arith.cmpi slt, %sub3A_136, %lt3A_137 : i32
          %convert_element_type3A_139 = arith.extui %lt3A_138 : i1 to i32
          %cond3A_140 = arith.constant 0 : i32
          %cond3A_141 = arith.cmpi ne, %convert_element_type3A_139, %cond3A_140 : i32
          scf.if %cond3A_141 {
            %add3A_249 = arith.constant 2 : i32
            %add3A_250 = arith.addi %add3A_83, %add3A_249 : i32
            %add3A_251 = arith.constant 8 : i32
            %add3A_252 = arith.addi %add3A_250, %add3A_251 : i32
            %sub3A_253 = arith.constant 1 : i32
            %sub3A_254 = arith.subi %add3A_252, %sub3A_253 : i32
            %dma_start3A_255 = arith.constant 0 : i32
            %dma_start3A_256 = tpu.memref_slice %arg11[%sub3A_254, %dma_start3A_255] : memref<32x32xi32, #tpu.memory_space<vmem>> -> memref<1x32xi32, #tpu.memory_space<vmem>>
            %dma_start3A_257 = tpu.memref_squeeze %dma_start3A_256 : memref<1x32xi32, #tpu.memory_space<vmem>> -> memref<32xi32, #tpu.memory_space<vmem>>
            %dma_start3A_258 = arith.constant 0 : i32
            %dma_start3A_259 = arith.constant 0 : i32
            %dma_start3A_260 = tpu.memref_slice %arg2[%dma_start3A_258, %dma_start3A_259] : memref<10400x144xf32, #tpu.memory_space<hbm>> -> memref<10400x144xf32, #tpu.memory_space<hbm>>
            tpu.enqueue_indirect_dma source(%dma_start3A_260 : memref<10400x144xf32, #tpu.memory_space<hbm>>) target(%arg14 : memref<32x144xf32, #tpu.memory_space<vmem>>) offsets(%dma_start3A_257 : memref<32xi32, #tpu.memory_space<vmem>>) semaphore(%arg23 : memref<!tpu.dma_semaphore, #tpu.memory_space<semaphore_mem>>)
          } else {
          }
          %add3A_142 = arith.constant 2 : i32
          %add3A_143 = arith.addi %add3A_83, %add3A_142 : i32
          "tpu.region"() ({
            %run_scoped3A = tpu.sem_alloc : memref<!tpu.dma_semaphore, #tpu.memory_space<semaphore_mem>>
            %dma_start3A_249 = arith.constant 0 : i32
            %dma_start3A_250 = tpu.memref_slice %arg12[%add3A_143, %dma_start3A_249] : memref<32x32xi32, #tpu.memory_space<vmem>> -> memref<1x32xi32, #tpu.memory_space<vmem>>
            %dma_start3A_251 = tpu.memref_squeeze %dma_start3A_250 : memref<1x32xi32, #tpu.memory_space<vmem>> -> memref<32xi32, #tpu.memory_space<vmem>>
            %dma_start3A_252 = arith.constant 0 : i32
            %dma_start3A_253 = arith.constant 0 : i32
            %dma_start3A_254 = tpu.memref_slice %arg21[%dma_start3A_252, %dma_start3A_253] : memref<10000x144xf32, #tpu.memory_space<vmem_shared>> -> memref<10000x144xf32, #tpu.memory_space<vmem_shared>>
            tpu.enqueue_indirect_dma source(%arg15 : memref<32x144xf32, #tpu.memory_space<vmem>>) target(%dma_start3A_254 : memref<10000x144xf32, #tpu.memory_space<vmem_shared>>) offsets(%dma_start3A_251 : memref<32xi32, #tpu.memory_space<vmem>>) semaphore(%run_scoped3A : memref<!tpu.dma_semaphore, #tpu.memory_space<semaphore_mem>>) {add = true}
            %dma_wait3A_255 = arith.constant 0 : i32
            %dma_wait3A_256 = tpu.memref_slice %arg12[%add3A_143, %dma_wait3A_255] : memref<32x32xi32, #tpu.memory_space<vmem>> -> memref<1x32xi32, #tpu.memory_space<vmem>>
            %dma_wait3A_257 = tpu.memref_squeeze %dma_wait3A_256 : memref<1x32xi32, #tpu.memory_space<vmem>> -> memref<32xi32, #tpu.memory_space<vmem>>
            %dma_wait3A_258 = arith.constant 0 : i32
            %dma_wait3A_259 = arith.constant 0 : i32
            %dma_wait3A_260 = tpu.memref_slice %arg21[%dma_wait3A_258, %dma_wait3A_259] : memref<10000x144xf32, #tpu.memory_space<vmem_shared>> -> memref<10000x144xf32, #tpu.memory_space<vmem_shared>>
            tpu.wait_indirect_dma semaphore(%run_scoped3A : memref<!tpu.dma_semaphore, #tpu.memory_space<semaphore_mem>>) src(%arg15 : memref<32x144xf32, #tpu.memory_space<vmem>>) dst(%dma_wait3A_260 : memref<10000x144xf32, #tpu.memory_space<vmem_shared>>)
            tpu.yield
          }) : () -> ()
          %add3A_144 = arith.constant 3 : i32
          %add3A_145 = arith.addi %add3A_83, %add3A_144 : i32
          %dma_wait3A_146 = arith.constant 0 : i32
          %dma_wait3A_147 = tpu.memref_slice %arg11[%add3A_145, %dma_wait3A_146] : memref<32x32xi32, #tpu.memory_space<vmem>> -> memref<1x32xi32, #tpu.memory_space<vmem>>
          %dma_wait3A_148 = tpu.memref_squeeze %dma_wait3A_147 : memref<1x32xi32, #tpu.memory_space<vmem>> -> memref<32xi32, #tpu.memory_space<vmem>>
          %dma_wait3A_149 = arith.constant 0 : i32
          %dma_wait3A_150 = arith.constant 0 : i32
          %dma_wait3A_151 = tpu.memref_slice %arg2[%dma_wait3A_149, %dma_wait3A_150] : memref<10400x144xf32, #tpu.memory_space<hbm>> -> memref<10400x144xf32, #tpu.memory_space<hbm>>
          tpu.wait_indirect_dma semaphore(%arg25 : memref<!tpu.dma_semaphore, #tpu.memory_space<semaphore_mem>>) src(%dma_wait3A_151 : memref<10400x144xf32, #tpu.memory_space<hbm>>) dst(%arg16 : memref<32x144xf32, #tpu.memory_space<vmem>>)
          %add3A_152 = arith.constant 3 : i32
          %add3A_153 = arith.addi %add3A_83, %add3A_152 : i32
          %add3A_154 = arith.constant 8 : i32
          %add3A_155 = arith.addi %add3A_153, %add3A_154 : i32
          %sub3A_156 = arith.constant 1 : i32
          %sub3A_157 = arith.subi %add3A_155, %sub3A_156 : i32
          %lt3A_158 = arith.constant 32 : i32
          %lt3A_159 = arith.cmpi slt, %sub3A_157, %lt3A_158 : i32
          %convert_element_type3A_160 = arith.extui %lt3A_159 : i1 to i32
          %cond3A_161 = arith.constant 0 : i32
          %cond3A_162 = arith.cmpi ne, %convert_element_type3A_160, %cond3A_161 : i32
          scf.if %cond3A_162 {
            %add3A_249 = arith.constant 3 : i32
            %add3A_250 = arith.addi %add3A_83, %add3A_249 : i32
            %add3A_251 = arith.constant 8 : i32
            %add3A_252 = arith.addi %add3A_250, %add3A_251 : i32
            %sub3A_253 = arith.constant 1 : i32
            %sub3A_254 = arith.subi %add3A_252, %sub3A_253 : i32
            %dma_start3A_255 = arith.constant 0 : i32
            %dma_start3A_256 = tpu.memref_slice %arg11[%sub3A_254, %dma_start3A_255] : memref<32x32xi32, #tpu.memory_space<vmem>> -> memref<1x32xi32, #tpu.memory_space<vmem>>
            %dma_start3A_257 = tpu.memref_squeeze %dma_start3A_256 : memref<1x32xi32, #tpu.memory_space<vmem>> -> memref<32xi32, #tpu.memory_space<vmem>>
            %dma_start3A_258 = arith.constant 0 : i32
            %dma_start3A_259 = arith.constant 0 : i32
            %dma_start3A_260 = tpu.memref_slice %arg2[%dma_start3A_258, %dma_start3A_259] : memref<10400x144xf32, #tpu.memory_space<hbm>> -> memref<10400x144xf32, #tpu.memory_space<hbm>>
            tpu.enqueue_indirect_dma source(%dma_start3A_260 : memref<10400x144xf32, #tpu.memory_space<hbm>>) target(%arg15 : memref<32x144xf32, #tpu.memory_space<vmem>>) offsets(%dma_start3A_257 : memref<32xi32, #tpu.memory_space<vmem>>) semaphore(%arg24 : memref<!tpu.dma_semaphore, #tpu.memory_space<semaphore_mem>>)
          } else {
          }
          %add3A_163 = arith.constant 3 : i32
          %add3A_164 = arith.addi %add3A_83, %add3A_163 : i32
          "tpu.region"() ({
            %run_scoped3A = tpu.sem_alloc : memref<!tpu.dma_semaphore, #tpu.memory_space<semaphore_mem>>
            %dma_start3A_249 = arith.constant 0 : i32
            %dma_start3A_250 = tpu.memref_slice %arg12[%add3A_164, %dma_start3A_249] : memref<32x32xi32, #tpu.memory_space<vmem>> -> memref<1x32xi32, #tpu.memory_space<vmem>>
            %dma_start3A_251 = tpu.memref_squeeze %dma_start3A_250 : memref<1x32xi32, #tpu.memory_space<vmem>> -> memref<32xi32, #tpu.memory_space<vmem>>
            %dma_start3A_252 = arith.constant 0 : i32
            %dma_start3A_253 = arith.constant 0 : i32
            %dma_start3A_254 = tpu.memref_slice %arg21[%dma_start3A_252, %dma_start3A_253] : memref<10000x144xf32, #tpu.memory_space<vmem_shared>> -> memref<10000x144xf32, #tpu.memory_space<vmem_shared>>
            tpu.enqueue_indirect_dma source(%arg16 : memref<32x144xf32, #tpu.memory_space<vmem>>) target(%dma_start3A_254 : memref<10000x144xf32, #tpu.memory_space<vmem_shared>>) offsets(%dma_start3A_251 : memref<32xi32, #tpu.memory_space<vmem>>) semaphore(%run_scoped3A : memref<!tpu.dma_semaphore, #tpu.memory_space<semaphore_mem>>) {add = true}
            %dma_wait3A_255 = arith.constant 0 : i32
            %dma_wait3A_256 = tpu.memref_slice %arg12[%add3A_164, %dma_wait3A_255] : memref<32x32xi32, #tpu.memory_space<vmem>> -> memref<1x32xi32, #tpu.memory_space<vmem>>
            %dma_wait3A_257 = tpu.memref_squeeze %dma_wait3A_256 : memref<1x32xi32, #tpu.memory_space<vmem>> -> memref<32xi32, #tpu.memory_space<vmem>>
            %dma_wait3A_258 = arith.constant 0 : i32
            %dma_wait3A_259 = arith.constant 0 : i32
            %dma_wait3A_260 = tpu.memref_slice %arg21[%dma_wait3A_258, %dma_wait3A_259] : memref<10000x144xf32, #tpu.memory_space<vmem_shared>> -> memref<10000x144xf32, #tpu.memory_space<vmem_shared>>
            tpu.wait_indirect_dma semaphore(%run_scoped3A : memref<!tpu.dma_semaphore, #tpu.memory_space<semaphore_mem>>) src(%arg16 : memref<32x144xf32, #tpu.memory_space<vmem>>) dst(%dma_wait3A_260 : memref<10000x144xf32, #tpu.memory_space<vmem_shared>>)
            tpu.yield
          }) : () -> ()
          %add3A_165 = arith.constant 4 : i32
          %add3A_166 = arith.addi %add3A_83, %add3A_165 : i32
          %dma_wait3A_167 = arith.constant 0 : i32
          %dma_wait3A_168 = tpu.memref_slice %arg11[%add3A_166, %dma_wait3A_167] : memref<32x32xi32, #tpu.memory_space<vmem>> -> memref<1x32xi32, #tpu.memory_space<vmem>>
          %dma_wait3A_169 = tpu.memref_squeeze %dma_wait3A_168 : memref<1x32xi32, #tpu.memory_space<vmem>> -> memref<32xi32, #tpu.memory_space<vmem>>
          %dma_wait3A_170 = arith.constant 0 : i32
          %dma_wait3A_171 = arith.constant 0 : i32
          %dma_wait3A_172 = tpu.memref_slice %arg2[%dma_wait3A_170, %dma_wait3A_171] : memref<10400x144xf32, #tpu.memory_space<hbm>> -> memref<10400x144xf32, #tpu.memory_space<hbm>>
          tpu.wait_indirect_dma semaphore(%arg26 : memref<!tpu.dma_semaphore, #tpu.memory_space<semaphore_mem>>) src(%dma_wait3A_172 : memref<10400x144xf32, #tpu.memory_space<hbm>>) dst(%arg17 : memref<32x144xf32, #tpu.memory_space<vmem>>)
          %add3A_173 = arith.constant 4 : i32
          %add3A_174 = arith.addi %add3A_83, %add3A_173 : i32
          %add3A_175 = arith.constant 8 : i32
          %add3A_176 = arith.addi %add3A_174, %add3A_175 : i32
          %sub3A_177 = arith.constant 1 : i32
          %sub3A_178 = arith.subi %add3A_176, %sub3A_177 : i32
          %lt3A_179 = arith.constant 32 : i32
          %lt3A_180 = arith.cmpi slt, %sub3A_178, %lt3A_179 : i32
          %convert_element_type3A_181 = arith.extui %lt3A_180 : i1 to i32
          %cond3A_182 = arith.constant 0 : i32
          %cond3A_183 = arith.cmpi ne, %convert_element_type3A_181, %cond3A_182 : i32
          scf.if %cond3A_183 {
            %add3A_249 = arith.constant 4 : i32
            %add3A_250 = arith.addi %add3A_83, %add3A_249 : i32
            %add3A_251 = arith.constant 8 : i32
            %add3A_252 = arith.addi %add3A_250, %add3A_251 : i32
            %sub3A_253 = arith.constant 1 : i32
            %sub3A_254 = arith.subi %add3A_252, %sub3A_253 : i32
            %dma_start3A_255 = arith.constant 0 : i32
            %dma_start3A_256 = tpu.memref_slice %arg11[%sub3A_254, %dma_start3A_255] : memref<32x32xi32, #tpu.memory_space<vmem>> -> memref<1x32xi32, #tpu.memory_space<vmem>>
            %dma_start3A_257 = tpu.memref_squeeze %dma_start3A_256 : memref<1x32xi32, #tpu.memory_space<vmem>> -> memref<32xi32, #tpu.memory_space<vmem>>
            %dma_start3A_258 = arith.constant 0 : i32
            %dma_start3A_259 = arith.constant 0 : i32
            %dma_start3A_260 = tpu.memref_slice %arg2[%dma_start3A_258, %dma_start3A_259] : memref<10400x144xf32, #tpu.memory_space<hbm>> -> memref<10400x144xf32, #tpu.memory_space<hbm>>
            tpu.enqueue_indirect_dma source(%dma_start3A_260 : memref<10400x144xf32, #tpu.memory_space<hbm>>) target(%arg16 : memref<32x144xf32, #tpu.memory_space<vmem>>) offsets(%dma_start3A_257 : memref<32xi32, #tpu.memory_space<vmem>>) semaphore(%arg25 : memref<!tpu.dma_semaphore, #tpu.memory_space<semaphore_mem>>)
          } else {
          }
          %add3A_184 = arith.constant 4 : i32
          %add3A_185 = arith.addi %add3A_83, %add3A_184 : i32
          "tpu.region"() ({
            %run_scoped3A = tpu.sem_alloc : memref<!tpu.dma_semaphore, #tpu.memory_space<semaphore_mem>>
            %dma_start3A_249 = arith.constant 0 : i32
            %dma_start3A_250 = tpu.memref_slice %arg12[%add3A_185, %dma_start3A_249] : memref<32x32xi32, #tpu.memory_space<vmem>> -> memref<1x32xi32, #tpu.memory_space<vmem>>
            %dma_start3A_251 = tpu.memref_squeeze %dma_start3A_250 : memref<1x32xi32, #tpu.memory_space<vmem>> -> memref<32xi32, #tpu.memory_space<vmem>>
            %dma_start3A_252 = arith.constant 0 : i32
            %dma_start3A_253 = arith.constant 0 : i32
            %dma_start3A_254 = tpu.memref_slice %arg21[%dma_start3A_252, %dma_start3A_253] : memref<10000x144xf32, #tpu.memory_space<vmem_shared>> -> memref<10000x144xf32, #tpu.memory_space<vmem_shared>>
            tpu.enqueue_indirect_dma source(%arg17 : memref<32x144xf32, #tpu.memory_space<vmem>>) target(%dma_start3A_254 : memref<10000x144xf32, #tpu.memory_space<vmem_shared>>) offsets(%dma_start3A_251 : memref<32xi32, #tpu.memory_space<vmem>>) semaphore(%run_scoped3A : memref<!tpu.dma_semaphore, #tpu.memory_space<semaphore_mem>>) {add = true}
            %dma_wait3A_255 = arith.constant 0 : i32
            %dma_wait3A_256 = tpu.memref_slice %arg12[%add3A_185, %dma_wait3A_255] : memref<32x32xi32, #tpu.memory_space<vmem>> -> memref<1x32xi32, #tpu.memory_space<vmem>>
            %dma_wait3A_257 = tpu.memref_squeeze %dma_wait3A_256 : memref<1x32xi32, #tpu.memory_space<vmem>> -> memref<32xi32, #tpu.memory_space<vmem>>
            %dma_wait3A_258 = arith.constant 0 : i32
            %dma_wait3A_259 = arith.constant 0 : i32
            %dma_wait3A_260 = tpu.memref_slice %arg21[%dma_wait3A_258, %dma_wait3A_259] : memref<10000x144xf32, #tpu.memory_space<vmem_shared>> -> memref<10000x144xf32, #tpu.memory_space<vmem_shared>>
            tpu.wait_indirect_dma semaphore(%run_scoped3A : memref<!tpu.dma_semaphore, #tpu.memory_space<semaphore_mem>>) src(%arg17 : memref<32x144xf32, #tpu.memory_space<vmem>>) dst(%dma_wait3A_260 : memref<10000x144xf32, #tpu.memory_space<vmem_shared>>)
            tpu.yield
          }) : () -> ()
          %add3A_186 = arith.constant 5 : i32
          %add3A_187 = arith.addi %add3A_83, %add3A_186 : i32
          %dma_wait3A_188 = arith.constant 0 : i32
          %dma_wait3A_189 = tpu.memref_slice %arg11[%add3A_187, %dma_wait3A_188] : memref<32x32xi32, #tpu.memory_space<vmem>> -> memref<1x32xi32, #tpu.memory_space<vmem>>
          %dma_wait3A_190 = tpu.memref_squeeze %dma_wait3A_189 : memref<1x32xi32, #tpu.memory_space<vmem>> -> memref<32xi32, #tpu.memory_space<vmem>>
          %dma_wait3A_191 = arith.constant 0 : i32
          %dma_wait3A_192 = arith.constant 0 : i32
          %dma_wait3A_193 = tpu.memref_slice %arg2[%dma_wait3A_191, %dma_wait3A_192] : memref<10400x144xf32, #tpu.memory_space<hbm>> -> memref<10400x144xf32, #tpu.memory_space<hbm>>
          tpu.wait_indirect_dma semaphore(%arg27 : memref<!tpu.dma_semaphore, #tpu.memory_space<semaphore_mem>>) src(%dma_wait3A_193 : memref<10400x144xf32, #tpu.memory_space<hbm>>) dst(%arg18 : memref<32x144xf32, #tpu.memory_space<vmem>>)
          %add3A_194 = arith.constant 5 : i32
          %add3A_195 = arith.addi %add3A_83, %add3A_194 : i32
          %add3A_196 = arith.constant 8 : i32
          %add3A_197 = arith.addi %add3A_195, %add3A_196 : i32
          %sub3A_198 = arith.constant 1 : i32
          %sub3A_199 = arith.subi %add3A_197, %sub3A_198 : i32
          %lt3A_200 = arith.constant 32 : i32
          %lt3A_201 = arith.cmpi slt, %sub3A_199, %lt3A_200 : i32
          %convert_element_type3A_202 = arith.extui %lt3A_201 : i1 to i32
          %cond3A_203 = arith.constant 0 : i32
          %cond3A_204 = arith.cmpi ne, %convert_element_type3A_202, %cond3A_203 : i32
          scf.if %cond3A_204 {
            %add3A_249 = arith.constant 5 : i32
            %add3A_250 = arith.addi %add3A_83, %add3A_249 : i32
            %add3A_251 = arith.constant 8 : i32
            %add3A_252 = arith.addi %add3A_250, %add3A_251 : i32
            %sub3A_253 = arith.constant 1 : i32
            %sub3A_254 = arith.subi %add3A_252, %sub3A_253 : i32
            %dma_start3A_255 = arith.constant 0 : i32
            %dma_start3A_256 = tpu.memref_slice %arg11[%sub3A_254, %dma_start3A_255] : memref<32x32xi32, #tpu.memory_space<vmem>> -> memref<1x32xi32, #tpu.memory_space<vmem>>
            %dma_start3A_257 = tpu.memref_squeeze %dma_start3A_256 : memref<1x32xi32, #tpu.memory_space<vmem>> -> memref<32xi32, #tpu.memory_space<vmem>>
            %dma_start3A_258 = arith.constant 0 : i32
            %dma_start3A_259 = arith.constant 0 : i32
            %dma_start3A_260 = tpu.memref_slice %arg2[%dma_start3A_258, %dma_start3A_259] : memref<10400x144xf32, #tpu.memory_space<hbm>> -> memref<10400x144xf32, #tpu.memory_space<hbm>>
            tpu.enqueue_indirect_dma source(%dma_start3A_260 : memref<10400x144xf32, #tpu.memory_space<hbm>>) target(%arg17 : memref<32x144xf32, #tpu.memory_space<vmem>>) offsets(%dma_start3A_257 : memref<32xi32, #tpu.memory_space<vmem>>) semaphore(%arg26 : memref<!tpu.dma_semaphore, #tpu.memory_space<semaphore_mem>>)
          } else {
          }
          %add3A_205 = arith.constant 5 : i32
          %add3A_206 = arith.addi %add3A_83, %add3A_205 : i32
          "tpu.region"() ({
            %run_scoped3A = tpu.sem_alloc : memref<!tpu.dma_semaphore, #tpu.memory_space<semaphore_mem>>
            %dma_start3A_249 = arith.constant 0 : i32
            %dma_start3A_250 = tpu.memref_slice %arg12[%add3A_206, %dma_start3A_249] : memref<32x32xi32, #tpu.memory_space<vmem>> -> memref<1x32xi32, #tpu.memory_space<vmem>>
            %dma_start3A_251 = tpu.memref_squeeze %dma_start3A_250 : memref<1x32xi32, #tpu.memory_space<vmem>> -> memref<32xi32, #tpu.memory_space<vmem>>
            %dma_start3A_252 = arith.constant 0 : i32
            %dma_start3A_253 = arith.constant 0 : i32
            %dma_start3A_254 = tpu.memref_slice %arg21[%dma_start3A_252, %dma_start3A_253] : memref<10000x144xf32, #tpu.memory_space<vmem_shared>> -> memref<10000x144xf32, #tpu.memory_space<vmem_shared>>
            tpu.enqueue_indirect_dma source(%arg18 : memref<32x144xf32, #tpu.memory_space<vmem>>) target(%dma_start3A_254 : memref<10000x144xf32, #tpu.memory_space<vmem_shared>>) offsets(%dma_start3A_251 : memref<32xi32, #tpu.memory_space<vmem>>) semaphore(%run_scoped3A : memref<!tpu.dma_semaphore, #tpu.memory_space<semaphore_mem>>) {add = true}
            %dma_wait3A_255 = arith.constant 0 : i32
            %dma_wait3A_256 = tpu.memref_slice %arg12[%add3A_206, %dma_wait3A_255] : memref<32x32xi32, #tpu.memory_space<vmem>> -> memref<1x32xi32, #tpu.memory_space<vmem>>
            %dma_wait3A_257 = tpu.memref_squeeze %dma_wait3A_256 : memref<1x32xi32, #tpu.memory_space<vmem>> -> memref<32xi32, #tpu.memory_space<vmem>>
            %dma_wait3A_258 = arith.constant 0 : i32
            %dma_wait3A_259 = arith.constant 0 : i32
            %dma_wait3A_260 = tpu.memref_slice %arg21[%dma_wait3A_258, %dma_wait3A_259] : memref<10000x144xf32, #tpu.memory_space<vmem_shared>> -> memref<10000x144xf32, #tpu.memory_space<vmem_shared>>
            tpu.wait_indirect_dma semaphore(%run_scoped3A : memref<!tpu.dma_semaphore, #tpu.memory_space<semaphore_mem>>) src(%arg18 : memref<32x144xf32, #tpu.memory_space<vmem>>) dst(%dma_wait3A_260 : memref<10000x144xf32, #tpu.memory_space<vmem_shared>>)
            tpu.yield
          }) : () -> ()
          %add3A_207 = arith.constant 6 : i32
          %add3A_208 = arith.addi %add3A_83, %add3A_207 : i32
          %dma_wait3A_209 = arith.constant 0 : i32
          %dma_wait3A_210 = tpu.memref_slice %arg11[%add3A_208, %dma_wait3A_209] : memref<32x32xi32, #tpu.memory_space<vmem>> -> memref<1x32xi32, #tpu.memory_space<vmem>>
          %dma_wait3A_211 = tpu.memref_squeeze %dma_wait3A_210 : memref<1x32xi32, #tpu.memory_space<vmem>> -> memref<32xi32, #tpu.memory_space<vmem>>
          %dma_wait3A_212 = arith.constant 0 : i32
          %dma_wait3A_213 = arith.constant 0 : i32
          %dma_wait3A_214 = tpu.memref_slice %arg2[%dma_wait3A_212, %dma_wait3A_213] : memref<10400x144xf32, #tpu.memory_space<hbm>> -> memref<10400x144xf32, #tpu.memory_space<hbm>>
          tpu.wait_indirect_dma semaphore(%arg28 : memref<!tpu.dma_semaphore, #tpu.memory_space<semaphore_mem>>) src(%dma_wait3A_214 : memref<10400x144xf32, #tpu.memory_space<hbm>>) dst(%arg19 : memref<32x144xf32, #tpu.memory_space<vmem>>)
          %add3A_215 = arith.constant 6 : i32
          %add3A_216 = arith.addi %add3A_83, %add3A_215 : i32
          %add3A_217 = arith.constant 8 : i32
          %add3A_218 = arith.addi %add3A_216, %add3A_217 : i32
          %sub3A_219 = arith.constant 1 : i32
          %sub3A_220 = arith.subi %add3A_218, %sub3A_219 : i32
          %lt3A_221 = arith.constant 32 : i32
          %lt3A_222 = arith.cmpi slt, %sub3A_220, %lt3A_221 : i32
          %convert_element_type3A_223 = arith.extui %lt3A_222 : i1 to i32
          %cond3A_224 = arith.constant 0 : i32
          %cond3A_225 = arith.cmpi ne, %convert_element_type3A_223, %cond3A_224 : i32
          scf.if %cond3A_225 {
            %add3A_249 = arith.constant 6 : i32
            %add3A_250 = arith.addi %add3A_83, %add3A_249 : i32
            %add3A_251 = arith.constant 8 : i32
            %add3A_252 = arith.addi %add3A_250, %add3A_251 : i32
            %sub3A_253 = arith.constant 1 : i32
            %sub3A_254 = arith.subi %add3A_252, %sub3A_253 : i32
            %dma_start3A_255 = arith.constant 0 : i32
            %dma_start3A_256 = tpu.memref_slice %arg11[%sub3A_254, %dma_start3A_255] : memref<32x32xi32, #tpu.memory_space<vmem>> -> memref<1x32xi32, #tpu.memory_space<vmem>>
            %dma_start3A_257 = tpu.memref_squeeze %dma_start3A_256 : memref<1x32xi32, #tpu.memory_space<vmem>> -> memref<32xi32, #tpu.memory_space<vmem>>
            %dma_start3A_258 = arith.constant 0 : i32
            %dma_start3A_259 = arith.constant 0 : i32
            %dma_start3A_260 = tpu.memref_slice %arg2[%dma_start3A_258, %dma_start3A_259] : memref<10400x144xf32, #tpu.memory_space<hbm>> -> memref<10400x144xf32, #tpu.memory_space<hbm>>
            tpu.enqueue_indirect_dma source(%dma_start3A_260 : memref<10400x144xf32, #tpu.memory_space<hbm>>) target(%arg18 : memref<32x144xf32, #tpu.memory_space<vmem>>) offsets(%dma_start3A_257 : memref<32xi32, #tpu.memory_space<vmem>>) semaphore(%arg27 : memref<!tpu.dma_semaphore, #tpu.memory_space<semaphore_mem>>)
          } else {
          }
          %add3A_226 = arith.constant 6 : i32
          %add3A_227 = arith.addi %add3A_83, %add3A_226 : i32
          "tpu.region"() ({
            %run_scoped3A = tpu.sem_alloc : memref<!tpu.dma_semaphore, #tpu.memory_space<semaphore_mem>>
            %dma_start3A_249 = arith.constant 0 : i32
            %dma_start3A_250 = tpu.memref_slice %arg12[%add3A_227, %dma_start3A_249] : memref<32x32xi32, #tpu.memory_space<vmem>> -> memref<1x32xi32, #tpu.memory_space<vmem>>
            %dma_start3A_251 = tpu.memref_squeeze %dma_start3A_250 : memref<1x32xi32, #tpu.memory_space<vmem>> -> memref<32xi32, #tpu.memory_space<vmem>>
            %dma_start3A_252 = arith.constant 0 : i32
            %dma_start3A_253 = arith.constant 0 : i32
            %dma_start3A_254 = tpu.memref_slice %arg21[%dma_start3A_252, %dma_start3A_253] : memref<10000x144xf32, #tpu.memory_space<vmem_shared>> -> memref<10000x144xf32, #tpu.memory_space<vmem_shared>>
            tpu.enqueue_indirect_dma source(%arg19 : memref<32x144xf32, #tpu.memory_space<vmem>>) target(%dma_start3A_254 : memref<10000x144xf32, #tpu.memory_space<vmem_shared>>) offsets(%dma_start3A_251 : memref<32xi32, #tpu.memory_space<vmem>>) semaphore(%run_scoped3A : memref<!tpu.dma_semaphore, #tpu.memory_space<semaphore_mem>>) {add = true}
            %dma_wait3A_255 = arith.constant 0 : i32
            %dma_wait3A_256 = tpu.memref_slice %arg12[%add3A_227, %dma_wait3A_255] : memref<32x32xi32, #tpu.memory_space<vmem>> -> memref<1x32xi32, #tpu.memory_space<vmem>>
            %dma_wait3A_257 = tpu.memref_squeeze %dma_wait3A_256 : memref<1x32xi32, #tpu.memory_space<vmem>> -> memref<32xi32, #tpu.memory_space<vmem>>
            %dma_wait3A_258 = arith.constant 0 : i32
            %dma_wait3A_259 = arith.constant 0 : i32
            %dma_wait3A_260 = tpu.memref_slice %arg21[%dma_wait3A_258, %dma_wait3A_259] : memref<10000x144xf32, #tpu.memory_space<vmem_shared>> -> memref<10000x144xf32, #tpu.memory_space<vmem_shared>>
            tpu.wait_indirect_dma semaphore(%run_scoped3A : memref<!tpu.dma_semaphore, #tpu.memory_space<semaphore_mem>>) src(%arg19 : memref<32x144xf32, #tpu.memory_space<vmem>>) dst(%dma_wait3A_260 : memref<10000x144xf32, #tpu.memory_space<vmem_shared>>)
            tpu.yield
          }) : () -> ()
          %add3A_228 = arith.constant 7 : i32
          %add3A_229 = arith.addi %add3A_83, %add3A_228 : i32
          %dma_wait3A_230 = arith.constant 0 : i32
          %dma_wait3A_231 = tpu.memref_slice %arg11[%add3A_229, %dma_wait3A_230] : memref<32x32xi32, #tpu.memory_space<vmem>> -> memref<1x32xi32, #tpu.memory_space<vmem>>
          %dma_wait3A_232 = tpu.memref_squeeze %dma_wait3A_231 : memref<1x32xi32, #tpu.memory_space<vmem>> -> memref<32xi32, #tpu.memory_space<vmem>>
          %dma_wait3A_233 = arith.constant 0 : i32
          %dma_wait3A_234 = arith.constant 0 : i32
          %dma_wait3A_235 = tpu.memref_slice %arg2[%dma_wait3A_233, %dma_wait3A_234] : memref<10400x144xf32, #tpu.memory_space<hbm>> -> memref<10400x144xf32, #tpu.memory_space<hbm>>
          tpu.wait_indirect_dma semaphore(%arg29 : memref<!tpu.dma_semaphore, #tpu.memory_space<semaphore_mem>>) src(%dma_wait3A_235 : memref<10400x144xf32, #tpu.memory_space<hbm>>) dst(%arg20 : memref<32x144xf32, #tpu.memory_space<vmem>>)
          %add3A_236 = arith.constant 7 : i32
          %add3A_237 = arith.addi %add3A_83, %add3A_236 : i32
          %add3A_238 = arith.constant 8 : i32
          %add3A_239 = arith.addi %add3A_237, %add3A_238 : i32
          %sub3A_240 = arith.constant 1 : i32
          %sub3A_241 = arith.subi %add3A_239, %sub3A_240 : i32
          %lt3A_242 = arith.constant 32 : i32
          %lt3A_243 = arith.cmpi slt, %sub3A_241, %lt3A_242 : i32
          %convert_element_type3A_244 = arith.extui %lt3A_243 : i1 to i32
          %cond3A_245 = arith.constant 0 : i32
          %cond3A_246 = arith.cmpi ne, %convert_element_type3A_244, %cond3A_245 : i32
          scf.if %cond3A_246 {
            %add3A_249 = arith.constant 7 : i32
            %add3A_250 = arith.addi %add3A_83, %add3A_249 : i32
            %add3A_251 = arith.constant 8 : i32
            %add3A_252 = arith.addi %add3A_250, %add3A_251 : i32
            %sub3A_253 = arith.constant 1 : i32
            %sub3A_254 = arith.subi %add3A_252, %sub3A_253 : i32
            %dma_start3A_255 = arith.constant 0 : i32
            %dma_start3A_256 = tpu.memref_slice %arg11[%sub3A_254, %dma_start3A_255] : memref<32x32xi32, #tpu.memory_space<vmem>> -> memref<1x32xi32, #tpu.memory_space<vmem>>
            %dma_start3A_257 = tpu.memref_squeeze %dma_start3A_256 : memref<1x32xi32, #tpu.memory_space<vmem>> -> memref<32xi32, #tpu.memory_space<vmem>>
            %dma_start3A_258 = arith.constant 0 : i32
            %dma_start3A_259 = arith.constant 0 : i32
            %dma_start3A_260 = tpu.memref_slice %arg2[%dma_start3A_258, %dma_start3A_259] : memref<10400x144xf32, #tpu.memory_space<hbm>> -> memref<10400x144xf32, #tpu.memory_space<hbm>>
            tpu.enqueue_indirect_dma source(%dma_start3A_260 : memref<10400x144xf32, #tpu.memory_space<hbm>>) target(%arg19 : memref<32x144xf32, #tpu.memory_space<vmem>>) offsets(%dma_start3A_257 : memref<32xi32, #tpu.memory_space<vmem>>) semaphore(%arg28 : memref<!tpu.dma_semaphore, #tpu.memory_space<semaphore_mem>>)
          } else {
          }
          %add3A_247 = arith.constant 7 : i32
          %add3A_248 = arith.addi %add3A_83, %add3A_247 : i32
          "tpu.region"() ({
            %run_scoped3A = tpu.sem_alloc : memref<!tpu.dma_semaphore, #tpu.memory_space<semaphore_mem>>
            %dma_start3A_249 = arith.constant 0 : i32
            %dma_start3A_250 = tpu.memref_slice %arg12[%add3A_248, %dma_start3A_249] : memref<32x32xi32, #tpu.memory_space<vmem>> -> memref<1x32xi32, #tpu.memory_space<vmem>>
            %dma_start3A_251 = tpu.memref_squeeze %dma_start3A_250 : memref<1x32xi32, #tpu.memory_space<vmem>> -> memref<32xi32, #tpu.memory_space<vmem>>
            %dma_start3A_252 = arith.constant 0 : i32
            %dma_start3A_253 = arith.constant 0 : i32
            %dma_start3A_254 = tpu.memref_slice %arg21[%dma_start3A_252, %dma_start3A_253] : memref<10000x144xf32, #tpu.memory_space<vmem_shared>> -> memref<10000x144xf32, #tpu.memory_space<vmem_shared>>
            tpu.enqueue_indirect_dma source(%arg20 : memref<32x144xf32, #tpu.memory_space<vmem>>) target(%dma_start3A_254 : memref<10000x144xf32, #tpu.memory_space<vmem_shared>>) offsets(%dma_start3A_251 : memref<32xi32, #tpu.memory_space<vmem>>) semaphore(%run_scoped3A : memref<!tpu.dma_semaphore, #tpu.memory_space<semaphore_mem>>) {add = true}
            %dma_wait3A_255 = arith.constant 0 : i32
            %dma_wait3A_256 = tpu.memref_slice %arg12[%add3A_248, %dma_wait3A_255] : memref<32x32xi32, #tpu.memory_space<vmem>> -> memref<1x32xi32, #tpu.memory_space<vmem>>
            %dma_wait3A_257 = tpu.memref_squeeze %dma_wait3A_256 : memref<1x32xi32, #tpu.memory_space<vmem>> -> memref<32xi32, #tpu.memory_space<vmem>>
            %dma_wait3A_258 = arith.constant 0 : i32
            %dma_wait3A_259 = arith.constant 0 : i32
            %dma_wait3A_260 = tpu.memref_slice %arg21[%dma_wait3A_258, %dma_wait3A_259] : memref<10000x144xf32, #tpu.memory_space<vmem_shared>> -> memref<10000x144xf32, #tpu.memory_space<vmem_shared>>
            tpu.wait_indirect_dma semaphore(%run_scoped3A : memref<!tpu.dma_semaphore, #tpu.memory_space<semaphore_mem>>) src(%arg20 : memref<32x144xf32, #tpu.memory_space<vmem>>) dst(%dma_wait3A_260 : memref<10000x144xf32, #tpu.memory_space<vmem_shared>>)
            tpu.yield
          }) : () -> ()
        }
        %scan3A_78 = arith.constant 4 : i32
      }
      %scan3A_11 = arith.constant 20 : i32
      %barrier3A_12 = arith.constant 0 : index
      tpu.barrier barrier_id(%barrier3A_12)
      %mul3A_13 = arith.constant 625 : i32
      %mul3A_14 = arith.muli %arg1, %mul3A_13 : i32
      %mul3A_15 = arith.constant 625 : i32
      %mul3A_16 = arith.muli %arg1, %mul3A_15 : i32
      "tpu.region"() ({
        %run_scoped3A = tpu.sem_alloc : memref<!tpu.dma_semaphore, #tpu.memory_space<semaphore_mem>>
        %dma_start3A = arith.constant 0 : i32
        %dma_start3A_17 = tpu.memref_slice %arg9[%mul3A_16, %dma_start3A] : memref<10000x144xf32, #tpu.memory_space<hbm>> -> memref<625x144xf32, #tpu.memory_space<hbm>>
        %dma_start3A_18 = arith.constant 0 : i32
        %dma_start3A_19 = tpu.memref_slice %arg21[%mul3A_14, %dma_start3A_18] : memref<10000x144xf32, #tpu.memory_space<vmem_shared>> -> memref<625x144xf32, #tpu.memory_space<vmem_shared>>
        tpu.enqueue_dma source(%dma_start3A_19 : memref<625x144xf32, #tpu.memory_space<vmem_shared>>) target(%dma_start3A_17 : memref<625x144xf32, #tpu.memory_space<hbm>>) target_semaphore(%run_scoped3A : memref<!tpu.dma_semaphore, #tpu.memory_space<semaphore_mem>>)
        %dma_wait3A = arith.constant 0 : i32
        %dma_wait3A_20 = tpu.memref_slice %arg9[%mul3A_16, %dma_wait3A] : memref<10000x144xf32, #tpu.memory_space<hbm>> -> memref<625x144xf32, #tpu.memory_space<hbm>>
        %dma_wait3A_21 = arith.constant 0 : i32
        %dma_wait3A_22 = tpu.memref_slice %arg21[%mul3A_14, %dma_wait3A_21] : memref<10000x144xf32, #tpu.memory_space<vmem_shared>> -> memref<625x144xf32, #tpu.memory_space<vmem_shared>>
        tpu.wait_dma2 semaphore(%run_scoped3A : memref<!tpu.dma_semaphore, #tpu.memory_space<semaphore_mem>>) src(%dma_wait3A_22 : memref<625x144xf32, #tpu.memory_space<vmem_shared>>) dst(%dma_wait3A_20 : memref<625x144xf32, #tpu.memory_space<hbm>>)
        tpu.yield
      }) : () -> ()
    } else {
    }
    %eq3A_2 = arith.constant 1 : i32
    %eq3A_3 = arith.cmpi eq, %arg0, %eq3A_2 : i32
    %convert_element_type3A_4 = arith.extui %eq3A_3 : i1 to i32
    %cond3A_5 = arith.constant 0 : i32
    %cond3A_6 = arith.cmpi ne, %convert_element_type3A_4, %cond3A_5 : i32
    scf.if %cond3A_6 {
      %mul3A = arith.constant 625 : i32
      %mul3A_7 = arith.muli %arg1, %mul3A : i32
      "tpu.region"() ({
        %run_scoped3A = tpu.sem_alloc : memref<!tpu.dma_semaphore, #tpu.memory_space<semaphore_mem>>
        %dma_start3A = arith.constant 0 : i32
        %dma_start3A_17 = tpu.memref_slice %arg21[%mul3A_7, %dma_start3A] : memref<10000x144xf32, #tpu.memory_space<vmem_shared>> -> memref<625x144xf32, #tpu.memory_space<vmem_shared>>
        tpu.enqueue_dma source(%arg8 : memref<625x144xf32, #tpu.memory_space<hbm>>) target(%dma_start3A_17 : memref<625x144xf32, #tpu.memory_space<vmem_shared>>) target_semaphore(%run_scoped3A : memref<!tpu.dma_semaphore, #tpu.memory_space<semaphore_mem>>)
        %dma_wait3A = arith.constant 0 : i32
        %dma_wait3A_18 = tpu.memref_slice %arg21[%mul3A_7, %dma_wait3A] : memref<10000x144xf32, #tpu.memory_space<vmem_shared>> -> memref<625x144xf32, #tpu.memory_space<vmem_shared>>
        tpu.wait_dma2 semaphore(%run_scoped3A : memref<!tpu.dma_semaphore, #tpu.memory_space<semaphore_mem>>) src(%arg8 : memref<625x144xf32, #tpu.memory_space<hbm>>) dst(%dma_wait3A_18 : memref<625x144xf32, #tpu.memory_space<vmem_shared>>)
        tpu.yield
      }) : () -> ()
      %barrier3A = arith.constant 0 : index
      tpu.barrier barrier_id(%barrier3A)
      %scan3A = arith.constant 0 : i32
      %scan3A_8 = arith.constant 20 : i32
      %scan3A_9 = arith.addi %scan3A, %scan3A_8 : i32
      %scan3A_10 = arith.constant 1 : i32
      scf.for %scan3A_17 = %scan3A to %scan3A_9 step %scan3A_10  : i32 {
        %mul3A_18 = arith.constant 1 : i32
        %mul3A_19 = arith.muli %scan3A_17, %mul3A_18 : i32
        %add3A = arith.constant 0 : i32
        %add3A_20 = arith.addi %add3A, %mul3A_19 : i32
        %mul3A_21 = arith.constant 640 : i32
        %mul3A_22 = arith.muli %arg1, %mul3A_21 : i32
        %mul3A_23 = arith.constant 32 : i32
        %mul3A_24 = arith.muli %add3A_20, %mul3A_23 : i32
        %add3A_25 = arith.addi %mul3A_22, %mul3A_24 : i32
        "tpu.region"() ({
          %run_scoped3A = tpu.sem_alloc : memref<!tpu.dma_semaphore, #tpu.memory_space<semaphore_mem>>
          %dma_start3A_79 = arith.constant 0 : i32
          %dma_start3A_80 = tpu.memref_slice %arg6[%add3A_25, %dma_start3A_79] : memref<10240x32xi32, #tpu.memory_space<hbm>> -> memref<32x32xi32, #tpu.memory_space<hbm>>
          %dma_start3A_81 = arith.constant 0 : i32
          %dma_start3A_82 = tpu.memref_slice %arg6[%add3A_25, %dma_start3A_81] : memref<10240x32xi32, #tpu.memory_space<hbm>> -> memref<32x32xi32, #tpu.memory_space<hbm>>
          tpu.enqueue_dma source(%dma_start3A_82 : memref<32x32xi32, #tpu.memory_space<hbm>>) target(%arg11 : memref<32x32xi32, #tpu.memory_space<vmem>>) target_semaphore(%run_scoped3A : memref<!tpu.dma_semaphore, #tpu.memory_space<semaphore_mem>>)
          %dma_wait3A = arith.constant 0 : i32
          %dma_wait3A_83 = tpu.memref_slice %arg6[%add3A_25, %dma_wait3A] : memref<10240x32xi32, #tpu.memory_space<hbm>> -> memref<32x32xi32, #tpu.memory_space<hbm>>
          %dma_wait3A_84 = arith.constant 0 : i32
          %dma_wait3A_85 = tpu.memref_slice %arg6[%add3A_25, %dma_wait3A_84] : memref<10240x32xi32, #tpu.memory_space<hbm>> -> memref<32x32xi32, #tpu.memory_space<hbm>>
          tpu.wait_dma2 semaphore(%run_scoped3A : memref<!tpu.dma_semaphore, #tpu.memory_space<semaphore_mem>>) src(%dma_wait3A_85 : memref<32x32xi32, #tpu.memory_space<hbm>>) dst(%arg11 : memref<32x32xi32, #tpu.memory_space<vmem>>)
          tpu.yield
        }) : () -> ()
        "tpu.region"() ({
          %run_scoped3A = tpu.sem_alloc : memref<!tpu.dma_semaphore, #tpu.memory_space<semaphore_mem>>
          %dma_start3A_79 = arith.constant 0 : i32
          %dma_start3A_80 = tpu.memref_slice %arg7[%add3A_25, %dma_start3A_79] : memref<10240x32xi32, #tpu.memory_space<hbm>> -> memref<32x32xi32, #tpu.memory_space<hbm>>
          %dma_start3A_81 = arith.constant 0 : i32
          %dma_start3A_82 = tpu.memref_slice %arg7[%add3A_25, %dma_start3A_81] : memref<10240x32xi32, #tpu.memory_space<hbm>> -> memref<32x32xi32, #tpu.memory_space<hbm>>
          tpu.enqueue_dma source(%dma_start3A_82 : memref<32x32xi32, #tpu.memory_space<hbm>>) target(%arg12 : memref<32x32xi32, #tpu.memory_space<vmem>>) target_semaphore(%run_scoped3A : memref<!tpu.dma_semaphore, #tpu.memory_space<semaphore_mem>>)
          %dma_wait3A = arith.constant 0 : i32
          %dma_wait3A_83 = tpu.memref_slice %arg7[%add3A_25, %dma_wait3A] : memref<10240x32xi32, #tpu.memory_space<hbm>> -> memref<32x32xi32, #tpu.memory_space<hbm>>
          %dma_wait3A_84 = arith.constant 0 : i32
          %dma_wait3A_85 = tpu.memref_slice %arg7[%add3A_25, %dma_wait3A_84] : memref<10240x32xi32, #tpu.memory_space<hbm>> -> memref<32x32xi32, #tpu.memory_space<hbm>>
          tpu.wait_dma2 semaphore(%run_scoped3A : memref<!tpu.dma_semaphore, #tpu.memory_space<semaphore_mem>>) src(%dma_wait3A_85 : memref<32x32xi32, #tpu.memory_space<hbm>>) dst(%arg12 : memref<32x32xi32, #tpu.memory_space<vmem>>)
          tpu.yield
        }) : () -> ()
        %dma_start3A = arith.constant 0 : i32
        %dma_start3A_26 = arith.constant 0 : i32
        %dma_start3A_27 = tpu.memref_slice %arg11[%dma_start3A, %dma_start3A_26] : memref<32x32xi32, #tpu.memory_space<vmem>> -> memref<1x32xi32, #tpu.memory_space<vmem>>
        %dma_start3A_28 = tpu.memref_squeeze %dma_start3A_27 : memref<1x32xi32, #tpu.memory_space<vmem>> -> memref<32xi32, #tpu.memory_space<vmem>>
        %dma_start3A_29 = arith.constant 0 : i32
        %dma_start3A_30 = arith.constant 0 : i32
        %dma_start3A_31 = tpu.memref_slice %arg5[%dma_start3A_29, %dma_start3A_30] : memref<10400x144xf32, #tpu.memory_space<hbm>> -> memref<10400x144xf32, #tpu.memory_space<hbm>>
        tpu.enqueue_indirect_dma source(%dma_start3A_31 : memref<10400x144xf32, #tpu.memory_space<hbm>>) target(%arg13 : memref<32x144xf32, #tpu.memory_space<vmem>>) offsets(%dma_start3A_28 : memref<32xi32, #tpu.memory_space<vmem>>) semaphore(%arg22 : memref<!tpu.dma_semaphore, #tpu.memory_space<semaphore_mem>>)
        %dma_start3A_32 = arith.constant 1 : i32
        %dma_start3A_33 = arith.constant 0 : i32
        %dma_start3A_34 = tpu.memref_slice %arg11[%dma_start3A_32, %dma_start3A_33] : memref<32x32xi32, #tpu.memory_space<vmem>> -> memref<1x32xi32, #tpu.memory_space<vmem>>
        %dma_start3A_35 = tpu.memref_squeeze %dma_start3A_34 : memref<1x32xi32, #tpu.memory_space<vmem>> -> memref<32xi32, #tpu.memory_space<vmem>>
        %dma_start3A_36 = arith.constant 0 : i32
        %dma_start3A_37 = arith.constant 0 : i32
        %dma_start3A_38 = tpu.memref_slice %arg5[%dma_start3A_36, %dma_start3A_37] : memref<10400x144xf32, #tpu.memory_space<hbm>> -> memref<10400x144xf32, #tpu.memory_space<hbm>>
        tpu.enqueue_indirect_dma source(%dma_start3A_38 : memref<10400x144xf32, #tpu.memory_space<hbm>>) target(%arg14 : memref<32x144xf32, #tpu.memory_space<vmem>>) offsets(%dma_start3A_35 : memref<32xi32, #tpu.memory_space<vmem>>) semaphore(%arg23 : memref<!tpu.dma_semaphore, #tpu.memory_space<semaphore_mem>>)
        %dma_start3A_39 = arith.constant 2 : i32
        %dma_start3A_40 = arith.constant 0 : i32
        %dma_start3A_41 = tpu.memref_slice %arg11[%dma_start3A_39, %dma_start3A_40] : memref<32x32xi32, #tpu.memory_space<vmem>> -> memref<1x32xi32, #tpu.memory_space<vmem>>
        %dma_start3A_42 = tpu.memref_squeeze %dma_start3A_41 : memref<1x32xi32, #tpu.memory_space<vmem>> -> memref<32xi32, #tpu.memory_space<vmem>>
        %dma_start3A_43 = arith.constant 0 : i32
        %dma_start3A_44 = arith.constant 0 : i32
        %dma_start3A_45 = tpu.memref_slice %arg5[%dma_start3A_43, %dma_start3A_44] : memref<10400x144xf32, #tpu.memory_space<hbm>> -> memref<10400x144xf32, #tpu.memory_space<hbm>>
        tpu.enqueue_indirect_dma source(%dma_start3A_45 : memref<10400x144xf32, #tpu.memory_space<hbm>>) target(%arg15 : memref<32x144xf32, #tpu.memory_space<vmem>>) offsets(%dma_start3A_42 : memref<32xi32, #tpu.memory_space<vmem>>) semaphore(%arg24 : memref<!tpu.dma_semaphore, #tpu.memory_space<semaphore_mem>>)
        %dma_start3A_46 = arith.constant 3 : i32
        %dma_start3A_47 = arith.constant 0 : i32
        %dma_start3A_48 = tpu.memref_slice %arg11[%dma_start3A_46, %dma_start3A_47] : memref<32x32xi32, #tpu.memory_space<vmem>> -> memref<1x32xi32, #tpu.memory_space<vmem>>
        %dma_start3A_49 = tpu.memref_squeeze %dma_start3A_48 : memref<1x32xi32, #tpu.memory_space<vmem>> -> memref<32xi32, #tpu.memory_space<vmem>>
        %dma_start3A_50 = arith.constant 0 : i32
        %dma_start3A_51 = arith.constant 0 : i32
        %dma_start3A_52 = tpu.memref_slice %arg5[%dma_start3A_50, %dma_start3A_51] : memref<10400x144xf32, #tpu.memory_space<hbm>> -> memref<10400x144xf32, #tpu.memory_space<hbm>>
        tpu.enqueue_indirect_dma source(%dma_start3A_52 : memref<10400x144xf32, #tpu.memory_space<hbm>>) target(%arg16 : memref<32x144xf32, #tpu.memory_space<vmem>>) offsets(%dma_start3A_49 : memref<32xi32, #tpu.memory_space<vmem>>) semaphore(%arg25 : memref<!tpu.dma_semaphore, #tpu.memory_space<semaphore_mem>>)
        %dma_start3A_53 = arith.constant 4 : i32
        %dma_start3A_54 = arith.constant 0 : i32
        %dma_start3A_55 = tpu.memref_slice %arg11[%dma_start3A_53, %dma_start3A_54] : memref<32x32xi32, #tpu.memory_space<vmem>> -> memref<1x32xi32, #tpu.memory_space<vmem>>
        %dma_start3A_56 = tpu.memref_squeeze %dma_start3A_55 : memref<1x32xi32, #tpu.memory_space<vmem>> -> memref<32xi32, #tpu.memory_space<vmem>>
        %dma_start3A_57 = arith.constant 0 : i32
        %dma_start3A_58 = arith.constant 0 : i32
        %dma_start3A_59 = tpu.memref_slice %arg5[%dma_start3A_57, %dma_start3A_58] : memref<10400x144xf32, #tpu.memory_space<hbm>> -> memref<10400x144xf32, #tpu.memory_space<hbm>>
        tpu.enqueue_indirect_dma source(%dma_start3A_59 : memref<10400x144xf32, #tpu.memory_space<hbm>>) target(%arg17 : memref<32x144xf32, #tpu.memory_space<vmem>>) offsets(%dma_start3A_56 : memref<32xi32, #tpu.memory_space<vmem>>) semaphore(%arg26 : memref<!tpu.dma_semaphore, #tpu.memory_space<semaphore_mem>>)
        %dma_start3A_60 = arith.constant 5 : i32
        %dma_start3A_61 = arith.constant 0 : i32
        %dma_start3A_62 = tpu.memref_slice %arg11[%dma_start3A_60, %dma_start3A_61] : memref<32x32xi32, #tpu.memory_space<vmem>> -> memref<1x32xi32, #tpu.memory_space<vmem>>
        %dma_start3A_63 = tpu.memref_squeeze %dma_start3A_62 : memref<1x32xi32, #tpu.memory_space<vmem>> -> memref<32xi32, #tpu.memory_space<vmem>>
        %dma_start3A_64 = arith.constant 0 : i32
        %dma_start3A_65 = arith.constant 0 : i32
        %dma_start3A_66 = tpu.memref_slice %arg5[%dma_start3A_64, %dma_start3A_65] : memref<10400x144xf32, #tpu.memory_space<hbm>> -> memref<10400x144xf32, #tpu.memory_space<hbm>>
        tpu.enqueue_indirect_dma source(%dma_start3A_66 : memref<10400x144xf32, #tpu.memory_space<hbm>>) target(%arg18 : memref<32x144xf32, #tpu.memory_space<vmem>>) offsets(%dma_start3A_63 : memref<32xi32, #tpu.memory_space<vmem>>) semaphore(%arg27 : memref<!tpu.dma_semaphore, #tpu.memory_space<semaphore_mem>>)
        %dma_start3A_67 = arith.constant 6 : i32
        %dma_start3A_68 = arith.constant 0 : i32
        %dma_start3A_69 = tpu.memref_slice %arg11[%dma_start3A_67, %dma_start3A_68] : memref<32x32xi32, #tpu.memory_space<vmem>> -> memref<1x32xi32, #tpu.memory_space<vmem>>
        %dma_start3A_70 = tpu.memref_squeeze %dma_start3A_69 : memref<1x32xi32, #tpu.memory_space<vmem>> -> memref<32xi32, #tpu.memory_space<vmem>>
        %dma_start3A_71 = arith.constant 0 : i32
        %dma_start3A_72 = arith.constant 0 : i32
        %dma_start3A_73 = tpu.memref_slice %arg5[%dma_start3A_71, %dma_start3A_72] : memref<10400x144xf32, #tpu.memory_space<hbm>> -> memref<10400x144xf32, #tpu.memory_space<hbm>>
        tpu.enqueue_indirect_dma source(%dma_start3A_73 : memref<10400x144xf32, #tpu.memory_space<hbm>>) target(%arg19 : memref<32x144xf32, #tpu.memory_space<vmem>>) offsets(%dma_start3A_70 : memref<32xi32, #tpu.memory_space<vmem>>) semaphore(%arg28 : memref<!tpu.dma_semaphore, #tpu.memory_space<semaphore_mem>>)
        %scan3A_74 = arith.constant 0 : i32
        %scan3A_75 = arith.constant 4 : i32
        %scan3A_76 = arith.addi %scan3A_74, %scan3A_75 : i32
        %scan3A_77 = arith.constant 1 : i32
        scf.for %scan3A_79 = %scan3A_74 to %scan3A_76 step %scan3A_77  : i32 {
          %mul3A_80 = arith.constant 8 : i32
          %mul3A_81 = arith.muli %scan3A_79, %mul3A_80 : i32
          %add3A_82 = arith.constant 0 : i32
          %add3A_83 = arith.addi %add3A_82, %mul3A_81 : i32
          %add3A_84 = arith.constant 0 : i32
          %add3A_85 = arith.addi %add3A_83, %add3A_84 : i32
          %dma_wait3A = arith.constant 0 : i32
          %dma_wait3A_86 = tpu.memref_slice %arg11[%add3A_85, %dma_wait3A] : memref<32x32xi32, #tpu.memory_space<vmem>> -> memref<1x32xi32, #tpu.memory_space<vmem>>
          %dma_wait3A_87 = tpu.memref_squeeze %dma_wait3A_86 : memref<1x32xi32, #tpu.memory_space<vmem>> -> memref<32xi32, #tpu.memory_space<vmem>>
          %dma_wait3A_88 = arith.constant 0 : i32
          %dma_wait3A_89 = arith.constant 0 : i32
          %dma_wait3A_90 = tpu.memref_slice %arg5[%dma_wait3A_88, %dma_wait3A_89] : memref<10400x144xf32, #tpu.memory_space<hbm>> -> memref<10400x144xf32, #tpu.memory_space<hbm>>
          tpu.wait_indirect_dma semaphore(%arg22 : memref<!tpu.dma_semaphore, #tpu.memory_space<semaphore_mem>>) src(%dma_wait3A_90 : memref<10400x144xf32, #tpu.memory_space<hbm>>) dst(%arg13 : memref<32x144xf32, #tpu.memory_space<vmem>>)
          %add3A_91 = arith.constant 0 : i32
          %add3A_92 = arith.addi %add3A_83, %add3A_91 : i32
          %add3A_93 = arith.constant 8 : i32
          %add3A_94 = arith.addi %add3A_92, %add3A_93 : i32
          %sub3A = arith.constant 1 : i32
          %sub3A_95 = arith.subi %add3A_94, %sub3A : i32
          %lt3A = arith.constant 32 : i32
          %lt3A_96 = arith.cmpi slt, %sub3A_95, %lt3A : i32
          %convert_element_type3A_97 = arith.extui %lt3A_96 : i1 to i32
          %cond3A_98 = arith.constant 0 : i32
          %cond3A_99 = arith.cmpi ne, %convert_element_type3A_97, %cond3A_98 : i32
          scf.if %cond3A_99 {
            %add3A_249 = arith.constant 0 : i32
            %add3A_250 = arith.addi %add3A_83, %add3A_249 : i32
            %add3A_251 = arith.constant 8 : i32
            %add3A_252 = arith.addi %add3A_250, %add3A_251 : i32
            %sub3A_253 = arith.constant 1 : i32
            %sub3A_254 = arith.subi %add3A_252, %sub3A_253 : i32
            %dma_start3A_255 = arith.constant 0 : i32
            %dma_start3A_256 = tpu.memref_slice %arg11[%sub3A_254, %dma_start3A_255] : memref<32x32xi32, #tpu.memory_space<vmem>> -> memref<1x32xi32, #tpu.memory_space<vmem>>
            %dma_start3A_257 = tpu.memref_squeeze %dma_start3A_256 : memref<1x32xi32, #tpu.memory_space<vmem>> -> memref<32xi32, #tpu.memory_space<vmem>>
            %dma_start3A_258 = arith.constant 0 : i32
            %dma_start3A_259 = arith.constant 0 : i32
            %dma_start3A_260 = tpu.memref_slice %arg5[%dma_start3A_258, %dma_start3A_259] : memref<10400x144xf32, #tpu.memory_space<hbm>> -> memref<10400x144xf32, #tpu.memory_space<hbm>>
            tpu.enqueue_indirect_dma source(%dma_start3A_260 : memref<10400x144xf32, #tpu.memory_space<hbm>>) target(%arg20 : memref<32x144xf32, #tpu.memory_space<vmem>>) offsets(%dma_start3A_257 : memref<32xi32, #tpu.memory_space<vmem>>) semaphore(%arg29 : memref<!tpu.dma_semaphore, #tpu.memory_space<semaphore_mem>>)
          } else {
          }
          %add3A_100 = arith.constant 0 : i32
          %add3A_101 = arith.addi %add3A_83, %add3A_100 : i32
          "tpu.region"() ({
            %run_scoped3A = tpu.sem_alloc : memref<!tpu.dma_semaphore, #tpu.memory_space<semaphore_mem>>
            %dma_start3A_249 = arith.constant 0 : i32
            %dma_start3A_250 = tpu.memref_slice %arg12[%add3A_101, %dma_start3A_249] : memref<32x32xi32, #tpu.memory_space<vmem>> -> memref<1x32xi32, #tpu.memory_space<vmem>>
            %dma_start3A_251 = tpu.memref_squeeze %dma_start3A_250 : memref<1x32xi32, #tpu.memory_space<vmem>> -> memref<32xi32, #tpu.memory_space<vmem>>
            %dma_start3A_252 = arith.constant 0 : i32
            %dma_start3A_253 = arith.constant 0 : i32
            %dma_start3A_254 = tpu.memref_slice %arg21[%dma_start3A_252, %dma_start3A_253] : memref<10000x144xf32, #tpu.memory_space<vmem_shared>> -> memref<10000x144xf32, #tpu.memory_space<vmem_shared>>
            tpu.enqueue_indirect_dma source(%arg13 : memref<32x144xf32, #tpu.memory_space<vmem>>) target(%dma_start3A_254 : memref<10000x144xf32, #tpu.memory_space<vmem_shared>>) offsets(%dma_start3A_251 : memref<32xi32, #tpu.memory_space<vmem>>) semaphore(%run_scoped3A : memref<!tpu.dma_semaphore, #tpu.memory_space<semaphore_mem>>) {add = true}
            %dma_wait3A_255 = arith.constant 0 : i32
            %dma_wait3A_256 = tpu.memref_slice %arg12[%add3A_101, %dma_wait3A_255] : memref<32x32xi32, #tpu.memory_space<vmem>> -> memref<1x32xi32, #tpu.memory_space<vmem>>
            %dma_wait3A_257 = tpu.memref_squeeze %dma_wait3A_256 : memref<1x32xi32, #tpu.memory_space<vmem>> -> memref<32xi32, #tpu.memory_space<vmem>>
            %dma_wait3A_258 = arith.constant 0 : i32
            %dma_wait3A_259 = arith.constant 0 : i32
            %dma_wait3A_260 = tpu.memref_slice %arg21[%dma_wait3A_258, %dma_wait3A_259] : memref<10000x144xf32, #tpu.memory_space<vmem_shared>> -> memref<10000x144xf32, #tpu.memory_space<vmem_shared>>
            tpu.wait_indirect_dma semaphore(%run_scoped3A : memref<!tpu.dma_semaphore, #tpu.memory_space<semaphore_mem>>) src(%arg13 : memref<32x144xf32, #tpu.memory_space<vmem>>) dst(%dma_wait3A_260 : memref<10000x144xf32, #tpu.memory_space<vmem_shared>>)
            tpu.yield
          }) : () -> ()
          %add3A_102 = arith.constant 1 : i32
          %add3A_103 = arith.addi %add3A_83, %add3A_102 : i32
          %dma_wait3A_104 = arith.constant 0 : i32
          %dma_wait3A_105 = tpu.memref_slice %arg11[%add3A_103, %dma_wait3A_104] : memref<32x32xi32, #tpu.memory_space<vmem>> -> memref<1x32xi32, #tpu.memory_space<vmem>>
          %dma_wait3A_106 = tpu.memref_squeeze %dma_wait3A_105 : memref<1x32xi32, #tpu.memory_space<vmem>> -> memref<32xi32, #tpu.memory_space<vmem>>
          %dma_wait3A_107 = arith.constant 0 : i32
          %dma_wait3A_108 = arith.constant 0 : i32
          %dma_wait3A_109 = tpu.memref_slice %arg5[%dma_wait3A_107, %dma_wait3A_108] : memref<10400x144xf32, #tpu.memory_space<hbm>> -> memref<10400x144xf32, #tpu.memory_space<hbm>>
          tpu.wait_indirect_dma semaphore(%arg23 : memref<!tpu.dma_semaphore, #tpu.memory_space<semaphore_mem>>) src(%dma_wait3A_109 : memref<10400x144xf32, #tpu.memory_space<hbm>>) dst(%arg14 : memref<32x144xf32, #tpu.memory_space<vmem>>)
          %add3A_110 = arith.constant 1 : i32
          %add3A_111 = arith.addi %add3A_83, %add3A_110 : i32
          %add3A_112 = arith.constant 8 : i32
          %add3A_113 = arith.addi %add3A_111, %add3A_112 : i32
          %sub3A_114 = arith.constant 1 : i32
          %sub3A_115 = arith.subi %add3A_113, %sub3A_114 : i32
          %lt3A_116 = arith.constant 32 : i32
          %lt3A_117 = arith.cmpi slt, %sub3A_115, %lt3A_116 : i32
          %convert_element_type3A_118 = arith.extui %lt3A_117 : i1 to i32
          %cond3A_119 = arith.constant 0 : i32
          %cond3A_120 = arith.cmpi ne, %convert_element_type3A_118, %cond3A_119 : i32
          scf.if %cond3A_120 {
            %add3A_249 = arith.constant 1 : i32
            %add3A_250 = arith.addi %add3A_83, %add3A_249 : i32
            %add3A_251 = arith.constant 8 : i32
            %add3A_252 = arith.addi %add3A_250, %add3A_251 : i32
            %sub3A_253 = arith.constant 1 : i32
            %sub3A_254 = arith.subi %add3A_252, %sub3A_253 : i32
            %dma_start3A_255 = arith.constant 0 : i32
            %dma_start3A_256 = tpu.memref_slice %arg11[%sub3A_254, %dma_start3A_255] : memref<32x32xi32, #tpu.memory_space<vmem>> -> memref<1x32xi32, #tpu.memory_space<vmem>>
            %dma_start3A_257 = tpu.memref_squeeze %dma_start3A_256 : memref<1x32xi32, #tpu.memory_space<vmem>> -> memref<32xi32, #tpu.memory_space<vmem>>
            %dma_start3A_258 = arith.constant 0 : i32
            %dma_start3A_259 = arith.constant 0 : i32
            %dma_start3A_260 = tpu.memref_slice %arg5[%dma_start3A_258, %dma_start3A_259] : memref<10400x144xf32, #tpu.memory_space<hbm>> -> memref<10400x144xf32, #tpu.memory_space<hbm>>
            tpu.enqueue_indirect_dma source(%dma_start3A_260 : memref<10400x144xf32, #tpu.memory_space<hbm>>) target(%arg13 : memref<32x144xf32, #tpu.memory_space<vmem>>) offsets(%dma_start3A_257 : memref<32xi32, #tpu.memory_space<vmem>>) semaphore(%arg22 : memref<!tpu.dma_semaphore, #tpu.memory_space<semaphore_mem>>)
          } else {
          }
          %add3A_121 = arith.constant 1 : i32
          %add3A_122 = arith.addi %add3A_83, %add3A_121 : i32
          "tpu.region"() ({
            %run_scoped3A = tpu.sem_alloc : memref<!tpu.dma_semaphore, #tpu.memory_space<semaphore_mem>>
            %dma_start3A_249 = arith.constant 0 : i32
            %dma_start3A_250 = tpu.memref_slice %arg12[%add3A_122, %dma_start3A_249] : memref<32x32xi32, #tpu.memory_space<vmem>> -> memref<1x32xi32, #tpu.memory_space<vmem>>
            %dma_start3A_251 = tpu.memref_squeeze %dma_start3A_250 : memref<1x32xi32, #tpu.memory_space<vmem>> -> memref<32xi32, #tpu.memory_space<vmem>>
            %dma_start3A_252 = arith.constant 0 : i32
            %dma_start3A_253 = arith.constant 0 : i32
            %dma_start3A_254 = tpu.memref_slice %arg21[%dma_start3A_252, %dma_start3A_253] : memref<10000x144xf32, #tpu.memory_space<vmem_shared>> -> memref<10000x144xf32, #tpu.memory_space<vmem_shared>>
            tpu.enqueue_indirect_dma source(%arg14 : memref<32x144xf32, #tpu.memory_space<vmem>>) target(%dma_start3A_254 : memref<10000x144xf32, #tpu.memory_space<vmem_shared>>) offsets(%dma_start3A_251 : memref<32xi32, #tpu.memory_space<vmem>>) semaphore(%run_scoped3A : memref<!tpu.dma_semaphore, #tpu.memory_space<semaphore_mem>>) {add = true}
            %dma_wait3A_255 = arith.constant 0 : i32
            %dma_wait3A_256 = tpu.memref_slice %arg12[%add3A_122, %dma_wait3A_255] : memref<32x32xi32, #tpu.memory_space<vmem>> -> memref<1x32xi32, #tpu.memory_space<vmem>>
            %dma_wait3A_257 = tpu.memref_squeeze %dma_wait3A_256 : memref<1x32xi32, #tpu.memory_space<vmem>> -> memref<32xi32, #tpu.memory_space<vmem>>
            %dma_wait3A_258 = arith.constant 0 : i32
            %dma_wait3A_259 = arith.constant 0 : i32
            %dma_wait3A_260 = tpu.memref_slice %arg21[%dma_wait3A_258, %dma_wait3A_259] : memref<10000x144xf32, #tpu.memory_space<vmem_shared>> -> memref<10000x144xf32, #tpu.memory_space<vmem_shared>>
            tpu.wait_indirect_dma semaphore(%run_scoped3A : memref<!tpu.dma_semaphore, #tpu.memory_space<semaphore_mem>>) src(%arg14 : memref<32x144xf32, #tpu.memory_space<vmem>>) dst(%dma_wait3A_260 : memref<10000x144xf32, #tpu.memory_space<vmem_shared>>)
            tpu.yield
          }) : () -> ()
          %add3A_123 = arith.constant 2 : i32
          %add3A_124 = arith.addi %add3A_83, %add3A_123 : i32
          %dma_wait3A_125 = arith.constant 0 : i32
          %dma_wait3A_126 = tpu.memref_slice %arg11[%add3A_124, %dma_wait3A_125] : memref<32x32xi32, #tpu.memory_space<vmem>> -> memref<1x32xi32, #tpu.memory_space<vmem>>
          %dma_wait3A_127 = tpu.memref_squeeze %dma_wait3A_126 : memref<1x32xi32, #tpu.memory_space<vmem>> -> memref<32xi32, #tpu.memory_space<vmem>>
          %dma_wait3A_128 = arith.constant 0 : i32
          %dma_wait3A_129 = arith.constant 0 : i32
          %dma_wait3A_130 = tpu.memref_slice %arg5[%dma_wait3A_128, %dma_wait3A_129] : memref<10400x144xf32, #tpu.memory_space<hbm>> -> memref<10400x144xf32, #tpu.memory_space<hbm>>
          tpu.wait_indirect_dma semaphore(%arg24 : memref<!tpu.dma_semaphore, #tpu.memory_space<semaphore_mem>>) src(%dma_wait3A_130 : memref<10400x144xf32, #tpu.memory_space<hbm>>) dst(%arg15 : memref<32x144xf32, #tpu.memory_space<vmem>>)
          %add3A_131 = arith.constant 2 : i32
          %add3A_132 = arith.addi %add3A_83, %add3A_131 : i32
          %add3A_133 = arith.constant 8 : i32
          %add3A_134 = arith.addi %add3A_132, %add3A_133 : i32
          %sub3A_135 = arith.constant 1 : i32
          %sub3A_136 = arith.subi %add3A_134, %sub3A_135 : i32
          %lt3A_137 = arith.constant 32 : i32
          %lt3A_138 = arith.cmpi slt, %sub3A_136, %lt3A_137 : i32
          %convert_element_type3A_139 = arith.extui %lt3A_138 : i1 to i32
          %cond3A_140 = arith.constant 0 : i32
          %cond3A_141 = arith.cmpi ne, %convert_element_type3A_139, %cond3A_140 : i32
          scf.if %cond3A_141 {
            %add3A_249 = arith.constant 2 : i32
            %add3A_250 = arith.addi %add3A_83, %add3A_249 : i32
            %add3A_251 = arith.constant 8 : i32
            %add3A_252 = arith.addi %add3A_250, %add3A_251 : i32
            %sub3A_253 = arith.constant 1 : i32
            %sub3A_254 = arith.subi %add3A_252, %sub3A_253 : i32
            %dma_start3A_255 = arith.constant 0 : i32
            %dma_start3A_256 = tpu.memref_slice %arg11[%sub3A_254, %dma_start3A_255] : memref<32x32xi32, #tpu.memory_space<vmem>> -> memref<1x32xi32, #tpu.memory_space<vmem>>
            %dma_start3A_257 = tpu.memref_squeeze %dma_start3A_256 : memref<1x32xi32, #tpu.memory_space<vmem>> -> memref<32xi32, #tpu.memory_space<vmem>>
            %dma_start3A_258 = arith.constant 0 : i32
            %dma_start3A_259 = arith.constant 0 : i32
            %dma_start3A_260 = tpu.memref_slice %arg5[%dma_start3A_258, %dma_start3A_259] : memref<10400x144xf32, #tpu.memory_space<hbm>> -> memref<10400x144xf32, #tpu.memory_space<hbm>>
            tpu.enqueue_indirect_dma source(%dma_start3A_260 : memref<10400x144xf32, #tpu.memory_space<hbm>>) target(%arg14 : memref<32x144xf32, #tpu.memory_space<vmem>>) offsets(%dma_start3A_257 : memref<32xi32, #tpu.memory_space<vmem>>) semaphore(%arg23 : memref<!tpu.dma_semaphore, #tpu.memory_space<semaphore_mem>>)
          } else {
          }
          %add3A_142 = arith.constant 2 : i32
          %add3A_143 = arith.addi %add3A_83, %add3A_142 : i32
          "tpu.region"() ({
            %run_scoped3A = tpu.sem_alloc : memref<!tpu.dma_semaphore, #tpu.memory_space<semaphore_mem>>
            %dma_start3A_249 = arith.constant 0 : i32
            %dma_start3A_250 = tpu.memref_slice %arg12[%add3A_143, %dma_start3A_249] : memref<32x32xi32, #tpu.memory_space<vmem>> -> memref<1x32xi32, #tpu.memory_space<vmem>>
            %dma_start3A_251 = tpu.memref_squeeze %dma_start3A_250 : memref<1x32xi32, #tpu.memory_space<vmem>> -> memref<32xi32, #tpu.memory_space<vmem>>
            %dma_start3A_252 = arith.constant 0 : i32
            %dma_start3A_253 = arith.constant 0 : i32
            %dma_start3A_254 = tpu.memref_slice %arg21[%dma_start3A_252, %dma_start3A_253] : memref<10000x144xf32, #tpu.memory_space<vmem_shared>> -> memref<10000x144xf32, #tpu.memory_space<vmem_shared>>
            tpu.enqueue_indirect_dma source(%arg15 : memref<32x144xf32, #tpu.memory_space<vmem>>) target(%dma_start3A_254 : memref<10000x144xf32, #tpu.memory_space<vmem_shared>>) offsets(%dma_start3A_251 : memref<32xi32, #tpu.memory_space<vmem>>) semaphore(%run_scoped3A : memref<!tpu.dma_semaphore, #tpu.memory_space<semaphore_mem>>) {add = true}
            %dma_wait3A_255 = arith.constant 0 : i32
            %dma_wait3A_256 = tpu.memref_slice %arg12[%add3A_143, %dma_wait3A_255] : memref<32x32xi32, #tpu.memory_space<vmem>> -> memref<1x32xi32, #tpu.memory_space<vmem>>
            %dma_wait3A_257 = tpu.memref_squeeze %dma_wait3A_256 : memref<1x32xi32, #tpu.memory_space<vmem>> -> memref<32xi32, #tpu.memory_space<vmem>>
            %dma_wait3A_258 = arith.constant 0 : i32
            %dma_wait3A_259 = arith.constant 0 : i32
            %dma_wait3A_260 = tpu.memref_slice %arg21[%dma_wait3A_258, %dma_wait3A_259] : memref<10000x144xf32, #tpu.memory_space<vmem_shared>> -> memref<10000x144xf32, #tpu.memory_space<vmem_shared>>
            tpu.wait_indirect_dma semaphore(%run_scoped3A : memref<!tpu.dma_semaphore, #tpu.memory_space<semaphore_mem>>) src(%arg15 : memref<32x144xf32, #tpu.memory_space<vmem>>) dst(%dma_wait3A_260 : memref<10000x144xf32, #tpu.memory_space<vmem_shared>>)
            tpu.yield
          }) : () -> ()
          %add3A_144 = arith.constant 3 : i32
          %add3A_145 = arith.addi %add3A_83, %add3A_144 : i32
          %dma_wait3A_146 = arith.constant 0 : i32
          %dma_wait3A_147 = tpu.memref_slice %arg11[%add3A_145, %dma_wait3A_146] : memref<32x32xi32, #tpu.memory_space<vmem>> -> memref<1x32xi32, #tpu.memory_space<vmem>>
          %dma_wait3A_148 = tpu.memref_squeeze %dma_wait3A_147 : memref<1x32xi32, #tpu.memory_space<vmem>> -> memref<32xi32, #tpu.memory_space<vmem>>
          %dma_wait3A_149 = arith.constant 0 : i32
          %dma_wait3A_150 = arith.constant 0 : i32
          %dma_wait3A_151 = tpu.memref_slice %arg5[%dma_wait3A_149, %dma_wait3A_150] : memref<10400x144xf32, #tpu.memory_space<hbm>> -> memref<10400x144xf32, #tpu.memory_space<hbm>>
          tpu.wait_indirect_dma semaphore(%arg25 : memref<!tpu.dma_semaphore, #tpu.memory_space<semaphore_mem>>) src(%dma_wait3A_151 : memref<10400x144xf32, #tpu.memory_space<hbm>>) dst(%arg16 : memref<32x144xf32, #tpu.memory_space<vmem>>)
          %add3A_152 = arith.constant 3 : i32
          %add3A_153 = arith.addi %add3A_83, %add3A_152 : i32
          %add3A_154 = arith.constant 8 : i32
          %add3A_155 = arith.addi %add3A_153, %add3A_154 : i32
          %sub3A_156 = arith.constant 1 : i32
          %sub3A_157 = arith.subi %add3A_155, %sub3A_156 : i32
          %lt3A_158 = arith.constant 32 : i32
          %lt3A_159 = arith.cmpi slt, %sub3A_157, %lt3A_158 : i32
          %convert_element_type3A_160 = arith.extui %lt3A_159 : i1 to i32
          %cond3A_161 = arith.constant 0 : i32
          %cond3A_162 = arith.cmpi ne, %convert_element_type3A_160, %cond3A_161 : i32
          scf.if %cond3A_162 {
            %add3A_249 = arith.constant 3 : i32
            %add3A_250 = arith.addi %add3A_83, %add3A_249 : i32
            %add3A_251 = arith.constant 8 : i32
            %add3A_252 = arith.addi %add3A_250, %add3A_251 : i32
            %sub3A_253 = arith.constant 1 : i32
            %sub3A_254 = arith.subi %add3A_252, %sub3A_253 : i32
            %dma_start3A_255 = arith.constant 0 : i32
            %dma_start3A_256 = tpu.memref_slice %arg11[%sub3A_254, %dma_start3A_255] : memref<32x32xi32, #tpu.memory_space<vmem>> -> memref<1x32xi32, #tpu.memory_space<vmem>>
            %dma_start3A_257 = tpu.memref_squeeze %dma_start3A_256 : memref<1x32xi32, #tpu.memory_space<vmem>> -> memref<32xi32, #tpu.memory_space<vmem>>
            %dma_start3A_258 = arith.constant 0 : i32
            %dma_start3A_259 = arith.constant 0 : i32
            %dma_start3A_260 = tpu.memref_slice %arg5[%dma_start3A_258, %dma_start3A_259] : memref<10400x144xf32, #tpu.memory_space<hbm>> -> memref<10400x144xf32, #tpu.memory_space<hbm>>
            tpu.enqueue_indirect_dma source(%dma_start3A_260 : memref<10400x144xf32, #tpu.memory_space<hbm>>) target(%arg15 : memref<32x144xf32, #tpu.memory_space<vmem>>) offsets(%dma_start3A_257 : memref<32xi32, #tpu.memory_space<vmem>>) semaphore(%arg24 : memref<!tpu.dma_semaphore, #tpu.memory_space<semaphore_mem>>)
          } else {
          }
          %add3A_163 = arith.constant 3 : i32
          %add3A_164 = arith.addi %add3A_83, %add3A_163 : i32
          "tpu.region"() ({
            %run_scoped3A = tpu.sem_alloc : memref<!tpu.dma_semaphore, #tpu.memory_space<semaphore_mem>>
            %dma_start3A_249 = arith.constant 0 : i32
            %dma_start3A_250 = tpu.memref_slice %arg12[%add3A_164, %dma_start3A_249] : memref<32x32xi32, #tpu.memory_space<vmem>> -> memref<1x32xi32, #tpu.memory_space<vmem>>
            %dma_start3A_251 = tpu.memref_squeeze %dma_start3A_250 : memref<1x32xi32, #tpu.memory_space<vmem>> -> memref<32xi32, #tpu.memory_space<vmem>>
            %dma_start3A_252 = arith.constant 0 : i32
            %dma_start3A_253 = arith.constant 0 : i32
            %dma_start3A_254 = tpu.memref_slice %arg21[%dma_start3A_252, %dma_start3A_253] : memref<10000x144xf32, #tpu.memory_space<vmem_shared>> -> memref<10000x144xf32, #tpu.memory_space<vmem_shared>>
            tpu.enqueue_indirect_dma source(%arg16 : memref<32x144xf32, #tpu.memory_space<vmem>>) target(%dma_start3A_254 : memref<10000x144xf32, #tpu.memory_space<vmem_shared>>) offsets(%dma_start3A_251 : memref<32xi32, #tpu.memory_space<vmem>>) semaphore(%run_scoped3A : memref<!tpu.dma_semaphore, #tpu.memory_space<semaphore_mem>>) {add = true}
            %dma_wait3A_255 = arith.constant 0 : i32
            %dma_wait3A_256 = tpu.memref_slice %arg12[%add3A_164, %dma_wait3A_255] : memref<32x32xi32, #tpu.memory_space<vmem>> -> memref<1x32xi32, #tpu.memory_space<vmem>>
            %dma_wait3A_257 = tpu.memref_squeeze %dma_wait3A_256 : memref<1x32xi32, #tpu.memory_space<vmem>> -> memref<32xi32, #tpu.memory_space<vmem>>
            %dma_wait3A_258 = arith.constant 0 : i32
            %dma_wait3A_259 = arith.constant 0 : i32
            %dma_wait3A_260 = tpu.memref_slice %arg21[%dma_wait3A_258, %dma_wait3A_259] : memref<10000x144xf32, #tpu.memory_space<vmem_shared>> -> memref<10000x144xf32, #tpu.memory_space<vmem_shared>>
            tpu.wait_indirect_dma semaphore(%run_scoped3A : memref<!tpu.dma_semaphore, #tpu.memory_space<semaphore_mem>>) src(%arg16 : memref<32x144xf32, #tpu.memory_space<vmem>>) dst(%dma_wait3A_260 : memref<10000x144xf32, #tpu.memory_space<vmem_shared>>)
            tpu.yield
          }) : () -> ()
          %add3A_165 = arith.constant 4 : i32
          %add3A_166 = arith.addi %add3A_83, %add3A_165 : i32
          %dma_wait3A_167 = arith.constant 0 : i32
          %dma_wait3A_168 = tpu.memref_slice %arg11[%add3A_166, %dma_wait3A_167] : memref<32x32xi32, #tpu.memory_space<vmem>> -> memref<1x32xi32, #tpu.memory_space<vmem>>
          %dma_wait3A_169 = tpu.memref_squeeze %dma_wait3A_168 : memref<1x32xi32, #tpu.memory_space<vmem>> -> memref<32xi32, #tpu.memory_space<vmem>>
          %dma_wait3A_170 = arith.constant 0 : i32
          %dma_wait3A_171 = arith.constant 0 : i32
          %dma_wait3A_172 = tpu.memref_slice %arg5[%dma_wait3A_170, %dma_wait3A_171] : memref<10400x144xf32, #tpu.memory_space<hbm>> -> memref<10400x144xf32, #tpu.memory_space<hbm>>
          tpu.wait_indirect_dma semaphore(%arg26 : memref<!tpu.dma_semaphore, #tpu.memory_space<semaphore_mem>>) src(%dma_wait3A_172 : memref<10400x144xf32, #tpu.memory_space<hbm>>) dst(%arg17 : memref<32x144xf32, #tpu.memory_space<vmem>>)
          %add3A_173 = arith.constant 4 : i32
          %add3A_174 = arith.addi %add3A_83, %add3A_173 : i32
          %add3A_175 = arith.constant 8 : i32
          %add3A_176 = arith.addi %add3A_174, %add3A_175 : i32
          %sub3A_177 = arith.constant 1 : i32
          %sub3A_178 = arith.subi %add3A_176, %sub3A_177 : i32
          %lt3A_179 = arith.constant 32 : i32
          %lt3A_180 = arith.cmpi slt, %sub3A_178, %lt3A_179 : i32
          %convert_element_type3A_181 = arith.extui %lt3A_180 : i1 to i32
          %cond3A_182 = arith.constant 0 : i32
          %cond3A_183 = arith.cmpi ne, %convert_element_type3A_181, %cond3A_182 : i32
          scf.if %cond3A_183 {
            %add3A_249 = arith.constant 4 : i32
            %add3A_250 = arith.addi %add3A_83, %add3A_249 : i32
            %add3A_251 = arith.constant 8 : i32
            %add3A_252 = arith.addi %add3A_250, %add3A_251 : i32
            %sub3A_253 = arith.constant 1 : i32
            %sub3A_254 = arith.subi %add3A_252, %sub3A_253 : i32
            %dma_start3A_255 = arith.constant 0 : i32
            %dma_start3A_256 = tpu.memref_slice %arg11[%sub3A_254, %dma_start3A_255] : memref<32x32xi32, #tpu.memory_space<vmem>> -> memref<1x32xi32, #tpu.memory_space<vmem>>
            %dma_start3A_257 = tpu.memref_squeeze %dma_start3A_256 : memref<1x32xi32, #tpu.memory_space<vmem>> -> memref<32xi32, #tpu.memory_space<vmem>>
            %dma_start3A_258 = arith.constant 0 : i32
            %dma_start3A_259 = arith.constant 0 : i32
            %dma_start3A_260 = tpu.memref_slice %arg5[%dma_start3A_258, %dma_start3A_259] : memref<10400x144xf32, #tpu.memory_space<hbm>> -> memref<10400x144xf32, #tpu.memory_space<hbm>>
            tpu.enqueue_indirect_dma source(%dma_start3A_260 : memref<10400x144xf32, #tpu.memory_space<hbm>>) target(%arg16 : memref<32x144xf32, #tpu.memory_space<vmem>>) offsets(%dma_start3A_257 : memref<32xi32, #tpu.memory_space<vmem>>) semaphore(%arg25 : memref<!tpu.dma_semaphore, #tpu.memory_space<semaphore_mem>>)
          } else {
          }
          %add3A_184 = arith.constant 4 : i32
          %add3A_185 = arith.addi %add3A_83, %add3A_184 : i32
          "tpu.region"() ({
            %run_scoped3A = tpu.sem_alloc : memref<!tpu.dma_semaphore, #tpu.memory_space<semaphore_mem>>
            %dma_start3A_249 = arith.constant 0 : i32
            %dma_start3A_250 = tpu.memref_slice %arg12[%add3A_185, %dma_start3A_249] : memref<32x32xi32, #tpu.memory_space<vmem>> -> memref<1x32xi32, #tpu.memory_space<vmem>>
            %dma_start3A_251 = tpu.memref_squeeze %dma_start3A_250 : memref<1x32xi32, #tpu.memory_space<vmem>> -> memref<32xi32, #tpu.memory_space<vmem>>
            %dma_start3A_252 = arith.constant 0 : i32
            %dma_start3A_253 = arith.constant 0 : i32
            %dma_start3A_254 = tpu.memref_slice %arg21[%dma_start3A_252, %dma_start3A_253] : memref<10000x144xf32, #tpu.memory_space<vmem_shared>> -> memref<10000x144xf32, #tpu.memory_space<vmem_shared>>
            tpu.enqueue_indirect_dma source(%arg17 : memref<32x144xf32, #tpu.memory_space<vmem>>) target(%dma_start3A_254 : memref<10000x144xf32, #tpu.memory_space<vmem_shared>>) offsets(%dma_start3A_251 : memref<32xi32, #tpu.memory_space<vmem>>) semaphore(%run_scoped3A : memref<!tpu.dma_semaphore, #tpu.memory_space<semaphore_mem>>) {add = true}
            %dma_wait3A_255 = arith.constant 0 : i32
            %dma_wait3A_256 = tpu.memref_slice %arg12[%add3A_185, %dma_wait3A_255] : memref<32x32xi32, #tpu.memory_space<vmem>> -> memref<1x32xi32, #tpu.memory_space<vmem>>
            %dma_wait3A_257 = tpu.memref_squeeze %dma_wait3A_256 : memref<1x32xi32, #tpu.memory_space<vmem>> -> memref<32xi32, #tpu.memory_space<vmem>>
            %dma_wait3A_258 = arith.constant 0 : i32
            %dma_wait3A_259 = arith.constant 0 : i32
            %dma_wait3A_260 = tpu.memref_slice %arg21[%dma_wait3A_258, %dma_wait3A_259] : memref<10000x144xf32, #tpu.memory_space<vmem_shared>> -> memref<10000x144xf32, #tpu.memory_space<vmem_shared>>
            tpu.wait_indirect_dma semaphore(%run_scoped3A : memref<!tpu.dma_semaphore, #tpu.memory_space<semaphore_mem>>) src(%arg17 : memref<32x144xf32, #tpu.memory_space<vmem>>) dst(%dma_wait3A_260 : memref<10000x144xf32, #tpu.memory_space<vmem_shared>>)
            tpu.yield
          }) : () -> ()
          %add3A_186 = arith.constant 5 : i32
          %add3A_187 = arith.addi %add3A_83, %add3A_186 : i32
          %dma_wait3A_188 = arith.constant 0 : i32
          %dma_wait3A_189 = tpu.memref_slice %arg11[%add3A_187, %dma_wait3A_188] : memref<32x32xi32, #tpu.memory_space<vmem>> -> memref<1x32xi32, #tpu.memory_space<vmem>>
          %dma_wait3A_190 = tpu.memref_squeeze %dma_wait3A_189 : memref<1x32xi32, #tpu.memory_space<vmem>> -> memref<32xi32, #tpu.memory_space<vmem>>
          %dma_wait3A_191 = arith.constant 0 : i32
          %dma_wait3A_192 = arith.constant 0 : i32
          %dma_wait3A_193 = tpu.memref_slice %arg5[%dma_wait3A_191, %dma_wait3A_192] : memref<10400x144xf32, #tpu.memory_space<hbm>> -> memref<10400x144xf32, #tpu.memory_space<hbm>>
          tpu.wait_indirect_dma semaphore(%arg27 : memref<!tpu.dma_semaphore, #tpu.memory_space<semaphore_mem>>) src(%dma_wait3A_193 : memref<10400x144xf32, #tpu.memory_space<hbm>>) dst(%arg18 : memref<32x144xf32, #tpu.memory_space<vmem>>)
          %add3A_194 = arith.constant 5 : i32
          %add3A_195 = arith.addi %add3A_83, %add3A_194 : i32
          %add3A_196 = arith.constant 8 : i32
          %add3A_197 = arith.addi %add3A_195, %add3A_196 : i32
          %sub3A_198 = arith.constant 1 : i32
          %sub3A_199 = arith.subi %add3A_197, %sub3A_198 : i32
          %lt3A_200 = arith.constant 32 : i32
          %lt3A_201 = arith.cmpi slt, %sub3A_199, %lt3A_200 : i32
          %convert_element_type3A_202 = arith.extui %lt3A_201 : i1 to i32
          %cond3A_203 = arith.constant 0 : i32
          %cond3A_204 = arith.cmpi ne, %convert_element_type3A_202, %cond3A_203 : i32
          scf.if %cond3A_204 {
            %add3A_249 = arith.constant 5 : i32
            %add3A_250 = arith.addi %add3A_83, %add3A_249 : i32
            %add3A_251 = arith.constant 8 : i32
            %add3A_252 = arith.addi %add3A_250, %add3A_251 : i32
            %sub3A_253 = arith.constant 1 : i32
            %sub3A_254 = arith.subi %add3A_252, %sub3A_253 : i32
            %dma_start3A_255 = arith.constant 0 : i32
            %dma_start3A_256 = tpu.memref_slice %arg11[%sub3A_254, %dma_start3A_255] : memref<32x32xi32, #tpu.memory_space<vmem>> -> memref<1x32xi32, #tpu.memory_space<vmem>>
            %dma_start3A_257 = tpu.memref_squeeze %dma_start3A_256 : memref<1x32xi32, #tpu.memory_space<vmem>> -> memref<32xi32, #tpu.memory_space<vmem>>
            %dma_start3A_258 = arith.constant 0 : i32
            %dma_start3A_259 = arith.constant 0 : i32
            %dma_start3A_260 = tpu.memref_slice %arg5[%dma_start3A_258, %dma_start3A_259] : memref<10400x144xf32, #tpu.memory_space<hbm>> -> memref<10400x144xf32, #tpu.memory_space<hbm>>
            tpu.enqueue_indirect_dma source(%dma_start3A_260 : memref<10400x144xf32, #tpu.memory_space<hbm>>) target(%arg17 : memref<32x144xf32, #tpu.memory_space<vmem>>) offsets(%dma_start3A_257 : memref<32xi32, #tpu.memory_space<vmem>>) semaphore(%arg26 : memref<!tpu.dma_semaphore, #tpu.memory_space<semaphore_mem>>)
          } else {
          }
          %add3A_205 = arith.constant 5 : i32
          %add3A_206 = arith.addi %add3A_83, %add3A_205 : i32
          "tpu.region"() ({
            %run_scoped3A = tpu.sem_alloc : memref<!tpu.dma_semaphore, #tpu.memory_space<semaphore_mem>>
            %dma_start3A_249 = arith.constant 0 : i32
            %dma_start3A_250 = tpu.memref_slice %arg12[%add3A_206, %dma_start3A_249] : memref<32x32xi32, #tpu.memory_space<vmem>> -> memref<1x32xi32, #tpu.memory_space<vmem>>
            %dma_start3A_251 = tpu.memref_squeeze %dma_start3A_250 : memref<1x32xi32, #tpu.memory_space<vmem>> -> memref<32xi32, #tpu.memory_space<vmem>>
            %dma_start3A_252 = arith.constant 0 : i32
            %dma_start3A_253 = arith.constant 0 : i32
            %dma_start3A_254 = tpu.memref_slice %arg21[%dma_start3A_252, %dma_start3A_253] : memref<10000x144xf32, #tpu.memory_space<vmem_shared>> -> memref<10000x144xf32, #tpu.memory_space<vmem_shared>>
            tpu.enqueue_indirect_dma source(%arg18 : memref<32x144xf32, #tpu.memory_space<vmem>>) target(%dma_start3A_254 : memref<10000x144xf32, #tpu.memory_space<vmem_shared>>) offsets(%dma_start3A_251 : memref<32xi32, #tpu.memory_space<vmem>>) semaphore(%run_scoped3A : memref<!tpu.dma_semaphore, #tpu.memory_space<semaphore_mem>>) {add = true}
            %dma_wait3A_255 = arith.constant 0 : i32
            %dma_wait3A_256 = tpu.memref_slice %arg12[%add3A_206, %dma_wait3A_255] : memref<32x32xi32, #tpu.memory_space<vmem>> -> memref<1x32xi32, #tpu.memory_space<vmem>>
            %dma_wait3A_257 = tpu.memref_squeeze %dma_wait3A_256 : memref<1x32xi32, #tpu.memory_space<vmem>> -> memref<32xi32, #tpu.memory_space<vmem>>
            %dma_wait3A_258 = arith.constant 0 : i32
            %dma_wait3A_259 = arith.constant 0 : i32
            %dma_wait3A_260 = tpu.memref_slice %arg21[%dma_wait3A_258, %dma_wait3A_259] : memref<10000x144xf32, #tpu.memory_space<vmem_shared>> -> memref<10000x144xf32, #tpu.memory_space<vmem_shared>>
            tpu.wait_indirect_dma semaphore(%run_scoped3A : memref<!tpu.dma_semaphore, #tpu.memory_space<semaphore_mem>>) src(%arg18 : memref<32x144xf32, #tpu.memory_space<vmem>>) dst(%dma_wait3A_260 : memref<10000x144xf32, #tpu.memory_space<vmem_shared>>)
            tpu.yield
          }) : () -> ()
          %add3A_207 = arith.constant 6 : i32
          %add3A_208 = arith.addi %add3A_83, %add3A_207 : i32
          %dma_wait3A_209 = arith.constant 0 : i32
          %dma_wait3A_210 = tpu.memref_slice %arg11[%add3A_208, %dma_wait3A_209] : memref<32x32xi32, #tpu.memory_space<vmem>> -> memref<1x32xi32, #tpu.memory_space<vmem>>
          %dma_wait3A_211 = tpu.memref_squeeze %dma_wait3A_210 : memref<1x32xi32, #tpu.memory_space<vmem>> -> memref<32xi32, #tpu.memory_space<vmem>>
          %dma_wait3A_212 = arith.constant 0 : i32
          %dma_wait3A_213 = arith.constant 0 : i32
          %dma_wait3A_214 = tpu.memref_slice %arg5[%dma_wait3A_212, %dma_wait3A_213] : memref<10400x144xf32, #tpu.memory_space<hbm>> -> memref<10400x144xf32, #tpu.memory_space<hbm>>
          tpu.wait_indirect_dma semaphore(%arg28 : memref<!tpu.dma_semaphore, #tpu.memory_space<semaphore_mem>>) src(%dma_wait3A_214 : memref<10400x144xf32, #tpu.memory_space<hbm>>) dst(%arg19 : memref<32x144xf32, #tpu.memory_space<vmem>>)
          %add3A_215 = arith.constant 6 : i32
          %add3A_216 = arith.addi %add3A_83, %add3A_215 : i32
          %add3A_217 = arith.constant 8 : i32
          %add3A_218 = arith.addi %add3A_216, %add3A_217 : i32
          %sub3A_219 = arith.constant 1 : i32
          %sub3A_220 = arith.subi %add3A_218, %sub3A_219 : i32
          %lt3A_221 = arith.constant 32 : i32
          %lt3A_222 = arith.cmpi slt, %sub3A_220, %lt3A_221 : i32
          %convert_element_type3A_223 = arith.extui %lt3A_222 : i1 to i32
          %cond3A_224 = arith.constant 0 : i32
          %cond3A_225 = arith.cmpi ne, %convert_element_type3A_223, %cond3A_224 : i32
          scf.if %cond3A_225 {
            %add3A_249 = arith.constant 6 : i32
            %add3A_250 = arith.addi %add3A_83, %add3A_249 : i32
            %add3A_251 = arith.constant 8 : i32
            %add3A_252 = arith.addi %add3A_250, %add3A_251 : i32
            %sub3A_253 = arith.constant 1 : i32
            %sub3A_254 = arith.subi %add3A_252, %sub3A_253 : i32
            %dma_start3A_255 = arith.constant 0 : i32
            %dma_start3A_256 = tpu.memref_slice %arg11[%sub3A_254, %dma_start3A_255] : memref<32x32xi32, #tpu.memory_space<vmem>> -> memref<1x32xi32, #tpu.memory_space<vmem>>
            %dma_start3A_257 = tpu.memref_squeeze %dma_start3A_256 : memref<1x32xi32, #tpu.memory_space<vmem>> -> memref<32xi32, #tpu.memory_space<vmem>>
            %dma_start3A_258 = arith.constant 0 : i32
            %dma_start3A_259 = arith.constant 0 : i32
            %dma_start3A_260 = tpu.memref_slice %arg5[%dma_start3A_258, %dma_start3A_259] : memref<10400x144xf32, #tpu.memory_space<hbm>> -> memref<10400x144xf32, #tpu.memory_space<hbm>>
            tpu.enqueue_indirect_dma source(%dma_start3A_260 : memref<10400x144xf32, #tpu.memory_space<hbm>>) target(%arg18 : memref<32x144xf32, #tpu.memory_space<vmem>>) offsets(%dma_start3A_257 : memref<32xi32, #tpu.memory_space<vmem>>) semaphore(%arg27 : memref<!tpu.dma_semaphore, #tpu.memory_space<semaphore_mem>>)
          } else {
          }
          %add3A_226 = arith.constant 6 : i32
          %add3A_227 = arith.addi %add3A_83, %add3A_226 : i32
          "tpu.region"() ({
            %run_scoped3A = tpu.sem_alloc : memref<!tpu.dma_semaphore, #tpu.memory_space<semaphore_mem>>
            %dma_start3A_249 = arith.constant 0 : i32
            %dma_start3A_250 = tpu.memref_slice %arg12[%add3A_227, %dma_start3A_249] : memref<32x32xi32, #tpu.memory_space<vmem>> -> memref<1x32xi32, #tpu.memory_space<vmem>>
            %dma_start3A_251 = tpu.memref_squeeze %dma_start3A_250 : memref<1x32xi32, #tpu.memory_space<vmem>> -> memref<32xi32, #tpu.memory_space<vmem>>
            %dma_start3A_252 = arith.constant 0 : i32
            %dma_start3A_253 = arith.constant 0 : i32
            %dma_start3A_254 = tpu.memref_slice %arg21[%dma_start3A_252, %dma_start3A_253] : memref<10000x144xf32, #tpu.memory_space<vmem_shared>> -> memref<10000x144xf32, #tpu.memory_space<vmem_shared>>
            tpu.enqueue_indirect_dma source(%arg19 : memref<32x144xf32, #tpu.memory_space<vmem>>) target(%dma_start3A_254 : memref<10000x144xf32, #tpu.memory_space<vmem_shared>>) offsets(%dma_start3A_251 : memref<32xi32, #tpu.memory_space<vmem>>) semaphore(%run_scoped3A : memref<!tpu.dma_semaphore, #tpu.memory_space<semaphore_mem>>) {add = true}
            %dma_wait3A_255 = arith.constant 0 : i32
            %dma_wait3A_256 = tpu.memref_slice %arg12[%add3A_227, %dma_wait3A_255] : memref<32x32xi32, #tpu.memory_space<vmem>> -> memref<1x32xi32, #tpu.memory_space<vmem>>
            %dma_wait3A_257 = tpu.memref_squeeze %dma_wait3A_256 : memref<1x32xi32, #tpu.memory_space<vmem>> -> memref<32xi32, #tpu.memory_space<vmem>>
            %dma_wait3A_258 = arith.constant 0 : i32
            %dma_wait3A_259 = arith.constant 0 : i32
            %dma_wait3A_260 = tpu.memref_slice %arg21[%dma_wait3A_258, %dma_wait3A_259] : memref<10000x144xf32, #tpu.memory_space<vmem_shared>> -> memref<10000x144xf32, #tpu.memory_space<vmem_shared>>
            tpu.wait_indirect_dma semaphore(%run_scoped3A : memref<!tpu.dma_semaphore, #tpu.memory_space<semaphore_mem>>) src(%arg19 : memref<32x144xf32, #tpu.memory_space<vmem>>) dst(%dma_wait3A_260 : memref<10000x144xf32, #tpu.memory_space<vmem_shared>>)
            tpu.yield
          }) : () -> ()
          %add3A_228 = arith.constant 7 : i32
          %add3A_229 = arith.addi %add3A_83, %add3A_228 : i32
          %dma_wait3A_230 = arith.constant 0 : i32
          %dma_wait3A_231 = tpu.memref_slice %arg11[%add3A_229, %dma_wait3A_230] : memref<32x32xi32, #tpu.memory_space<vmem>> -> memref<1x32xi32, #tpu.memory_space<vmem>>
          %dma_wait3A_232 = tpu.memref_squeeze %dma_wait3A_231 : memref<1x32xi32, #tpu.memory_space<vmem>> -> memref<32xi32, #tpu.memory_space<vmem>>
          %dma_wait3A_233 = arith.constant 0 : i32
          %dma_wait3A_234 = arith.constant 0 : i32
          %dma_wait3A_235 = tpu.memref_slice %arg5[%dma_wait3A_233, %dma_wait3A_234] : memref<10400x144xf32, #tpu.memory_space<hbm>> -> memref<10400x144xf32, #tpu.memory_space<hbm>>
          tpu.wait_indirect_dma semaphore(%arg29 : memref<!tpu.dma_semaphore, #tpu.memory_space<semaphore_mem>>) src(%dma_wait3A_235 : memref<10400x144xf32, #tpu.memory_space<hbm>>) dst(%arg20 : memref<32x144xf32, #tpu.memory_space<vmem>>)
          %add3A_236 = arith.constant 7 : i32
          %add3A_237 = arith.addi %add3A_83, %add3A_236 : i32
          %add3A_238 = arith.constant 8 : i32
          %add3A_239 = arith.addi %add3A_237, %add3A_238 : i32
          %sub3A_240 = arith.constant 1 : i32
          %sub3A_241 = arith.subi %add3A_239, %sub3A_240 : i32
          %lt3A_242 = arith.constant 32 : i32
          %lt3A_243 = arith.cmpi slt, %sub3A_241, %lt3A_242 : i32
          %convert_element_type3A_244 = arith.extui %lt3A_243 : i1 to i32
          %cond3A_245 = arith.constant 0 : i32
          %cond3A_246 = arith.cmpi ne, %convert_element_type3A_244, %cond3A_245 : i32
          scf.if %cond3A_246 {
            %add3A_249 = arith.constant 7 : i32
            %add3A_250 = arith.addi %add3A_83, %add3A_249 : i32
            %add3A_251 = arith.constant 8 : i32
            %add3A_252 = arith.addi %add3A_250, %add3A_251 : i32
            %sub3A_253 = arith.constant 1 : i32
            %sub3A_254 = arith.subi %add3A_252, %sub3A_253 : i32
            %dma_start3A_255 = arith.constant 0 : i32
            %dma_start3A_256 = tpu.memref_slice %arg11[%sub3A_254, %dma_start3A_255] : memref<32x32xi32, #tpu.memory_space<vmem>> -> memref<1x32xi32, #tpu.memory_space<vmem>>
            %dma_start3A_257 = tpu.memref_squeeze %dma_start3A_256 : memref<1x32xi32, #tpu.memory_space<vmem>> -> memref<32xi32, #tpu.memory_space<vmem>>
            %dma_start3A_258 = arith.constant 0 : i32
            %dma_start3A_259 = arith.constant 0 : i32
            %dma_start3A_260 = tpu.memref_slice %arg5[%dma_start3A_258, %dma_start3A_259] : memref<10400x144xf32, #tpu.memory_space<hbm>> -> memref<10400x144xf32, #tpu.memory_space<hbm>>
            tpu.enqueue_indirect_dma source(%dma_start3A_260 : memref<10400x144xf32, #tpu.memory_space<hbm>>) target(%arg19 : memref<32x144xf32, #tpu.memory_space<vmem>>) offsets(%dma_start3A_257 : memref<32xi32, #tpu.memory_space<vmem>>) semaphore(%arg28 : memref<!tpu.dma_semaphore, #tpu.memory_space<semaphore_mem>>)
          } else {
          }
          %add3A_247 = arith.constant 7 : i32
          %add3A_248 = arith.addi %add3A_83, %add3A_247 : i32
          "tpu.region"() ({
            %run_scoped3A = tpu.sem_alloc : memref<!tpu.dma_semaphore, #tpu.memory_space<semaphore_mem>>
            %dma_start3A_249 = arith.constant 0 : i32
            %dma_start3A_250 = tpu.memref_slice %arg12[%add3A_248, %dma_start3A_249] : memref<32x32xi32, #tpu.memory_space<vmem>> -> memref<1x32xi32, #tpu.memory_space<vmem>>
            %dma_start3A_251 = tpu.memref_squeeze %dma_start3A_250 : memref<1x32xi32, #tpu.memory_space<vmem>> -> memref<32xi32, #tpu.memory_space<vmem>>
            %dma_start3A_252 = arith.constant 0 : i32
            %dma_start3A_253 = arith.constant 0 : i32
            %dma_start3A_254 = tpu.memref_slice %arg21[%dma_start3A_252, %dma_start3A_253] : memref<10000x144xf32, #tpu.memory_space<vmem_shared>> -> memref<10000x144xf32, #tpu.memory_space<vmem_shared>>
            tpu.enqueue_indirect_dma source(%arg20 : memref<32x144xf32, #tpu.memory_space<vmem>>) target(%dma_start3A_254 : memref<10000x144xf32, #tpu.memory_space<vmem_shared>>) offsets(%dma_start3A_251 : memref<32xi32, #tpu.memory_space<vmem>>) semaphore(%run_scoped3A : memref<!tpu.dma_semaphore, #tpu.memory_space<semaphore_mem>>) {add = true}
            %dma_wait3A_255 = arith.constant 0 : i32
            %dma_wait3A_256 = tpu.memref_slice %arg12[%add3A_248, %dma_wait3A_255] : memref<32x32xi32, #tpu.memory_space<vmem>> -> memref<1x32xi32, #tpu.memory_space<vmem>>
            %dma_wait3A_257 = tpu.memref_squeeze %dma_wait3A_256 : memref<1x32xi32, #tpu.memory_space<vmem>> -> memref<32xi32, #tpu.memory_space<vmem>>
            %dma_wait3A_258 = arith.constant 0 : i32
            %dma_wait3A_259 = arith.constant 0 : i32
            %dma_wait3A_260 = tpu.memref_slice %arg21[%dma_wait3A_258, %dma_wait3A_259] : memref<10000x144xf32, #tpu.memory_space<vmem_shared>> -> memref<10000x144xf32, #tpu.memory_space<vmem_shared>>
            tpu.wait_indirect_dma semaphore(%run_scoped3A : memref<!tpu.dma_semaphore, #tpu.memory_space<semaphore_mem>>) src(%arg20 : memref<32x144xf32, #tpu.memory_space<vmem>>) dst(%dma_wait3A_260 : memref<10000x144xf32, #tpu.memory_space<vmem_shared>>)
            tpu.yield
          }) : () -> ()
        }
        %scan3A_78 = arith.constant 4 : i32
      }
      %scan3A_11 = arith.constant 20 : i32
      %barrier3A_12 = arith.constant 0 : index
      tpu.barrier barrier_id(%barrier3A_12)
      %mul3A_13 = arith.constant 625 : i32
      %mul3A_14 = arith.muli %arg1, %mul3A_13 : i32
      %mul3A_15 = arith.constant 625 : i32
      %mul3A_16 = arith.muli %arg1, %mul3A_15 : i32
      "tpu.region"() ({
        %run_scoped3A = tpu.sem_alloc : memref<!tpu.dma_semaphore, #tpu.memory_space<semaphore_mem>>
        %dma_start3A = arith.constant 0 : i32
        %dma_start3A_17 = tpu.memref_slice %arg10[%mul3A_16, %dma_start3A] : memref<10000x144xf32, #tpu.memory_space<hbm>> -> memref<625x144xf32, #tpu.memory_space<hbm>>
        %dma_start3A_18 = arith.constant 0 : i32
        %dma_start3A_19 = tpu.memref_slice %arg21[%mul3A_14, %dma_start3A_18] : memref<10000x144xf32, #tpu.memory_space<vmem_shared>> -> memref<625x144xf32, #tpu.memory_space<vmem_shared>>
        tpu.enqueue_dma source(%dma_start3A_19 : memref<625x144xf32, #tpu.memory_space<vmem_shared>>) target(%dma_start3A_17 : memref<625x144xf32, #tpu.memory_space<hbm>>) target_semaphore(%run_scoped3A : memref<!tpu.dma_semaphore, #tpu.memory_space<semaphore_mem>>)
        %dma_wait3A = arith.constant 0 : i32
        %dma_wait3A_20 = tpu.memref_slice %arg10[%mul3A_16, %dma_wait3A] : memref<10000x144xf32, #tpu.memory_space<hbm>> -> memref<625x144xf32, #tpu.memory_space<hbm>>
        %dma_wait3A_21 = arith.constant 0 : i32
        %dma_wait3A_22 = tpu.memref_slice %arg21[%mul3A_14, %dma_wait3A_21] : memref<10000x144xf32, #tpu.memory_space<vmem_shared>> -> memref<625x144xf32, #tpu.memory_space<vmem_shared>>
        tpu.wait_dma2 semaphore(%run_scoped3A : memref<!tpu.dma_semaphore, #tpu.memory_space<semaphore_mem>>) src(%dma_wait3A_22 : memref<625x144xf32, #tpu.memory_space<vmem_shared>>) dst(%dma_wait3A_20 : memref<625x144xf32, #tpu.memory_space<hbm>>)
        tpu.yield
      }) : () -> ()
    } else {
    }
    return
  }
}

module attributes {stable_mosaic.version = 14 : i64} {
  func.func @_table_body(%arg0: i32, %arg1: memref<400x128xf32, #tpu.memory_space<vmem>>, %arg2: memref<128x128xf32, #tpu.memory_space<vmem>>, %arg3: memref<1x128xf32, #tpu.memory_space<vmem>>, %arg4: memref<128x128xf32, #tpu.memory_space<vmem>>, %arg5: memref<1x128xf32, #tpu.memory_space<vmem>>, %arg6: memref<400x144xf32, #tpu.memory_space<vmem>>) attributes {dimension_semantics = [#tpu.dimension_semantics<arbitrary>], iteration_bounds = array<i64: 26>, scalar_prefetch = 0 : i64, scratch_operands = 0 : i64, tpu.core_type = #tpu.core_type<tc>, window_params = [{transform_indices = @transform_0, window_bounds = array<i64: 400, 128>}, {pipeline_mode = #tpu.pipeline_mode<synchronous>, transform_indices = @transform_1, window_bounds = array<i64: 128, 128>}, {pipeline_mode = #tpu.pipeline_mode<synchronous>, transform_indices = @transform_2, window_bounds = array<i64: 1, 128>}, {pipeline_mode = #tpu.pipeline_mode<synchronous>, transform_indices = @transform_3, window_bounds = array<i64: 128, 128>}, {pipeline_mode = #tpu.pipeline_mode<synchronous>, transform_indices = @transform_4, window_bounds = array<i64: 1, 128>}, {transform_indices = @transform_5, window_bounds = array<i64: 400, 144>}]} {
    %get3A = arith.constant 0 : index
    %get3A_0 = arith.constant 0 : index
    %get3A_1 = vector.load %arg1[%get3A, %get3A_0] : memref<400x128xf32, #tpu.memory_space<vmem>>, vector<400x128xf32>
    %get3A_2 = arith.constant 0 : index
    %get3A_3 = arith.constant 0 : index
    %get3A_4 = vector.load %arg2[%get3A_2, %get3A_3] : memref<128x128xf32, #tpu.memory_space<vmem>>, vector<128x128xf32>
    %dot_general3A = arith.constant dense<0.000000e+00> : vector<400x128xf32>
    %dot_general3A_5 = tpu.matmul %get3A_1, %get3A_4, %dot_general3A {dimension_numbers = #tpu.dot_dimension_numbers<[1], [0], [0], [1], [0, 0, 1, 1], [], []>, transpose_lhs_hint = false} : vector<400x128xf32>, vector<128x128xf32>, vector<400x128xf32> -> vector<400x128xf32>
    %get3A_6 = arith.constant 0 : index
    %get3A_7 = arith.constant 0 : index
    %get3A_8 = vector.load %arg3[%get3A_6, %get3A_7] : memref<1x128xf32, #tpu.memory_space<vmem>>, vector<1x128xf32>
    %add3A = vector.broadcast %get3A_8 : vector<1x128xf32> to vector<400x128xf32>
    %add3A_9 = arith.addf %dot_general3A_5, %add3A : vector<400x128xf32>
    %get3A_10 = arith.constant 0 : index
    %get3A_11 = arith.constant 0 : index
    %get3A_12 = vector.load %arg4[%get3A_10, %get3A_11] : memref<128x128xf32, #tpu.memory_space<vmem>>, vector<128x128xf32>
    %dot_general3A_13 = arith.constant dense<0.000000e+00> : vector<400x128xf32>
    %dot_general3A_14 = tpu.matmul %add3A_9, %get3A_12, %dot_general3A_13 {dimension_numbers = #tpu.dot_dimension_numbers<[1], [0], [0], [1], [0, 0, 1, 1], [], []>, transpose_lhs_hint = false} : vector<400x128xf32>, vector<128x128xf32>, vector<400x128xf32> -> vector<400x128xf32>
    %get3A_15 = arith.constant 0 : index
    %get3A_16 = arith.constant 0 : index
    %get3A_17 = vector.load %arg5[%get3A_15, %get3A_16] : memref<1x128xf32, #tpu.memory_space<vmem>>, vector<1x128xf32>
    %add3A_18 = vector.broadcast %get3A_17 : vector<1x128xf32> to vector<400x128xf32>
    %add3A_19 = arith.addf %dot_general3A_14, %add3A_18 : vector<400x128xf32>
    %iota3A = tpu.iota {dimensions = array<i32: 1>} : vector<400x16xi32>
    %eq3A = arith.constant 0 : i32
    %eq3A_20 = vector.broadcast %eq3A : i32 to vector<400x16xi32>
    %eq3A_21 = arith.cmpi eq, %iota3A, %eq3A_20 : vector<400x16xi32>
    %jit3A = arith.constant 1.000000e+00 : f32
    %jit3A_22 = arith.constant 0.000000e+00 : f32
    %broadcast_in_dim3A = vector.broadcast %jit3A : f32 to vector<400x16xf32>
    %broadcast_in_dim3A_23 = vector.broadcast %jit3A_22 : f32 to vector<400x16xf32>
    %select_n3A = arith.select %eq3A_21, %broadcast_in_dim3A, %broadcast_in_dim3A_23 : vector<400x16xi1>, vector<400x16xf32>
    %mul3A = arith.constant 1.250000e-01 : f32
    %mul3A_24 = vector.broadcast %mul3A : f32 to vector<400x128xf32>
    %mul3A_25 = arith.mulf %add3A_19, %mul3A_24 : vector<400x128xf32>
    %concatenate3A = tpu.concatenate %mul3A_25, %select_n3A in 1 : vector<400x128xf32>, vector<400x16xf32> -> vector<400x144xf32>
    %lt3A = arith.constant 25 : i32
    %lt3A_26 = arith.cmpi slt, %arg0, %lt3A : i32
    %jit3A_27 = arith.constant 1.000000e+00 : f32
    %jit3A_28 = arith.constant 0.000000e+00 : f32
    %select_n3A_29 = arith.select %lt3A_26, %jit3A_27, %jit3A_28 : f32
    %mul3A_30 = vector.broadcast %select_n3A_29 : f32 to vector<400x144xf32>
    %mul3A_31 = arith.mulf %concatenate3A, %mul3A_30 : vector<400x144xf32>
    %swap3A = arith.constant 0 : index
    %swap3A_32 = arith.constant 0 : index
    %swap3A_33 = vector.load %arg6[%swap3A, %swap3A_32] : memref<400x144xf32, #tpu.memory_space<vmem>>, vector<400x144xf32>
    tpu.vector_store %arg6[%swap3A, %swap3A_32], %mul3A_31 {strides = array<i32>} : memref<400x144xf32, #tpu.memory_space<vmem>>, vector<400x144xf32>,
    return
  }
  func.func @transform_0(%arg0: i32) -> (i32, i32) {
    %min3A = arith.constant 24 : i32
    %min3A_0 = arith.minsi %arg0, %min3A : i32
    %c0_i32 = arith.constant 0 : i32
    %c0_i32_1 = arith.constant 0 : i32
    return %min3A_0, %c0_i32 : i32, i32
  }
  func.func @transform_1(%arg0: i32) -> (i32, i32) {
    %c0_i32 = arith.constant 0 : i32
    %c0_i32_0 = arith.constant 0 : i32
    %c0_i32_1 = arith.constant 0 : i32
    return %c0_i32, %c0_i32_0 : i32, i32
  }
  func.func @transform_2(%arg0: i32) -> (i32, i32) {
    %c0_i32 = arith.constant 0 : i32
    %c0_i32_0 = arith.constant 0 : i32
    %c0_i32_1 = arith.constant 0 : i32
    return %c0_i32, %c0_i32_0 : i32, i32
  }
  func.func @transform_3(%arg0: i32) -> (i32, i32) {
    %c0_i32 = arith.constant 0 : i32
    %c0_i32_0 = arith.constant 0 : i32
    %c0_i32_1 = arith.constant 0 : i32
    return %c0_i32, %c0_i32_0 : i32, i32
  }
  func.func @transform_4(%arg0: i32) -> (i32, i32) {
    %c0_i32 = arith.constant 0 : i32
    %c0_i32_0 = arith.constant 0 : i32
    %c0_i32_1 = arith.constant 0 : i32
    return %c0_i32, %c0_i32_0 : i32, i32
  }
  func.func @transform_5(%arg0: i32) -> (i32, i32) {
    %c0_i32 = arith.constant 0 : i32
    %c0_i32_0 = arith.constant 0 : i32
    return %arg0, %c0_i32 : i32, i32
  }
}

module attributes {stable_mosaic.version = 14 : i64} {
  func.func @_out_body(%arg0: i32, %arg1: memref<400x144xf32, #tpu.memory_space<vmem>>, %arg2: memref<400x128xf32, #tpu.memory_space<vmem>>, %arg3: memref<128x128xf32, #tpu.memory_space<vmem>>, %arg4: memref<1x128xf32, #tpu.memory_space<vmem>>, %arg5: memref<400x128xf32, #tpu.memory_space<vmem>>) attributes {dimension_semantics = [#tpu.dimension_semantics<arbitrary>], iteration_bounds = array<i64: 25>, scalar_prefetch = 0 : i64, scratch_operands = 0 : i64, tpu.core_type = #tpu.core_type<tc>, window_params = [{transform_indices = @transform_0, window_bounds = array<i64: 400, 144>}, {transform_indices = @transform_1, window_bounds = array<i64: 400, 128>}, {pipeline_mode = #tpu.pipeline_mode<synchronous>, transform_indices = @transform_2, window_bounds = array<i64: 128, 128>}, {pipeline_mode = #tpu.pipeline_mode<synchronous>, transform_indices = @transform_3, window_bounds = array<i64: 1, 128>}, {transform_indices = @transform_4, window_bounds = array<i64: 400, 128>}]} {
    %get3A = arith.constant 0 : index
    %get3A_0 = arith.constant 0 : index
    %get3A_1 = vector.load %arg1[%get3A, %get3A_0] : memref<400x144xf32, #tpu.memory_space<vmem>>, vector<400x144xf32>
    %slice3A = vector.extract_strided_slice %get3A_1 {offsets = [0, 128], sizes = [400, 1], strides = [1, 1]} : vector<400x144xf32> to vector<400x1xf32>
    %max3A = arith.constant 1.000000e+00 : f32
    %max3A_2 = vector.broadcast %max3A : f32 to vector<400x1xf32>
    %max3A_3 = arith.maximumf %slice3A, %max3A_2 : vector<400x1xf32>
    %slice3A_4 = vector.extract_strided_slice %get3A_1 {offsets = [0, 0], sizes = [400, 128], strides = [1, 1]} : vector<400x144xf32> to vector<400x128xf32>
    %div3A = vector.broadcast %max3A_3 : vector<400x1xf32> to vector<400x128xf32>
    %div3A_5 = arith.divf %slice3A_4, %div3A : vector<400x128xf32>
    %get3A_6 = arith.constant 0 : index
    %get3A_7 = arith.constant 0 : index
    %get3A_8 = vector.load %arg3[%get3A_6, %get3A_7] : memref<128x128xf32, #tpu.memory_space<vmem>>, vector<128x128xf32>
    %dot_general3A = arith.constant dense<0.000000e+00> : vector<400x128xf32>
    %dot_general3A_9 = tpu.matmul %div3A_5, %get3A_8, %dot_general3A {dimension_numbers = #tpu.dot_dimension_numbers<[1], [0], [0], [1], [0, 0, 1, 1], [], []>, transpose_lhs_hint = false} : vector<400x128xf32>, vector<128x128xf32>, vector<400x128xf32> -> vector<400x128xf32>
    %get3A_10 = arith.constant 0 : index
    %get3A_11 = arith.constant 0 : index
    %get3A_12 = vector.load %arg4[%get3A_10, %get3A_11] : memref<1x128xf32, #tpu.memory_space<vmem>>, vector<1x128xf32>
    %add3A = vector.broadcast %get3A_12 : vector<1x128xf32> to vector<400x128xf32>
    %add3A_13 = arith.addf %dot_general3A_9, %add3A : vector<400x128xf32>
    %get3A_14 = arith.constant 0 : index
    %get3A_15 = arith.constant 0 : index
    %get3A_16 = vector.load %arg2[%get3A_14, %get3A_15] : memref<400x128xf32, #tpu.memory_space<vmem>>, vector<400x128xf32>
    %add3A_17 = arith.addf %add3A_13, %get3A_16 : vector<400x128xf32>
    %max3A_18 = arith.constant 0.000000e+00 : f32
    %max3A_19 = vector.broadcast %max3A_18 : f32 to vector<400x128xf32>
    %max3A_20 = arith.maximumf %add3A_17, %max3A_19 : vector<400x128xf32>
    %swap3A = arith.constant 0 : index
    %swap3A_21 = arith.constant 0 : index
    %swap3A_22 = vector.load %arg5[%swap3A, %swap3A_21] : memref<400x128xf32, #tpu.memory_space<vmem>>, vector<400x128xf32>
    tpu.vector_store %arg5[%swap3A, %swap3A_21], %max3A_20 {strides = array<i32>} : memref<400x128xf32, #tpu.memory_space<vmem>>, vector<400x128xf32>,
    return
  }
  func.func @transform_0(%arg0: i32) -> (i32, i32) {
    %c0_i32 = arith.constant 0 : i32
    %c0_i32_0 = arith.constant 0 : i32
    return %arg0, %c0_i32 : i32, i32
  }
  func.func @transform_1(%arg0: i32) -> (i32, i32) {
    %c0_i32 = arith.constant 0 : i32
    %c0_i32_0 = arith.constant 0 : i32
    return %arg0, %c0_i32 : i32, i32
  }
  func.func @transform_2(%arg0: i32) -> (i32, i32) {
    %c0_i32 = arith.constant 0 : i32
    %c0_i32_0 = arith.constant 0 : i32
    %c0_i32_1 = arith.constant 0 : i32
    return %c0_i32, %c0_i32_0 : i32, i32
  }
  func.func @transform_3(%arg0: i32) -> (i32, i32) {
    %c0_i32 = arith.constant 0 : i32
    %c0_i32_0 = arith.constant 0 : i32
    %c0_i32_1 = arith.constant 0 : i32
    return %c0_i32, %c0_i32_0 : i32, i32
  }
  func.func @transform_4(%arg0: i32) -> (i32, i32) {
    %c0_i32 = arith.constant 0 : i32
    %c0_i32_0 = arith.constant 0 : i32
    return %arg0, %c0_i32 : i32, i32
  }
}

</mosaic_0001>

<sc_bundles>
// kernel: kernel.7.cloned.1.call-start
scs
__scs_entry_jumppad:
0x0: {  	(pc) =	sbr.rel $0x88, $3  }
0x1: {  	(tag) =	ssettag $0x0;
	lr =	simm.s32 $0x1  }
0x2: {  	[smem:$0x3F91] =	sst lr;
	_ =	strace $0xD0000000  }
0x3: {  	_ = 	snop  }
0x4: {  	_ = 	snop  }
0x5: {  	_ = 	snop  }
0x6: {  	_ = 	snop  }
0x7: {  	_ = 	snop  }
__scs_overlays_trampoline_lowered:
0x8: {  	[smem:$0x3FA0] =	sst s0  }
0x9: {  	[smem:$0x3FA1] =	sst s1  }
0xa: {  	[smem:$0x3FA2] =	sst s2  }
0xb: {  	[smem:$0x3FA3] =	sst s3  }
0xc: {  	[smem:$0x3FA4] =	sst s4  }
0xd: {  	[smem:$0x3FA5] =	sst s5  }
0xe: {  	[smem:$0x3FA6] =	sst s6  }
0xf: {  	[smem:$0x3FA7] =	sst s7  }
0x10: {  	[smem:$0x3FA8] =	sst s8  }
0x11: {  	[smem:$0x3FA9] =	sst s9;
	s0 =	simm.s32 @!p0 $0x0  }
0x12: {  	s1 =	sld [smem:$0x3F8F];
	s0 =	simm.s32 @p0 $0x1  }
0x13: {  	[smem:$0x3FAA] =	sst s0;
	s0 =	simm.s32 @!p1 $0x0  }
0x14: {  	s2 =	sld [smem:$0x3F8E];
	s0 =	simm.s32 @p1 $0x1  }
0x15: {  	[smem:$0x3FAB] =	sst s0;
	s0 =	simm.s32 @!p2 $0x0  }
0x16: {  	s3 =	sld [smem:$0x3FDB];
	s0 =	simm.s32 @p2 $0x1  }
0x17: {  	s4 =	simm.s32 $0x1BF5;
	[smem:$0x3FAD] =	sst s0  }
0x18: {  	s0 =	sld [smem:$0x3F90];
	_ =	swait.ge [sflag:s4], $0x0  }
0x19: {  	s7 =	sld [smem:$0x3F91]  }
0x1a: {  	s8 =	sadd.s32 $0xFFFFE003, lr  }
0x1b: {  	s9 =	sadd.s32 $0xFFFFFEF7, lr;
	s5 =	simm.s32 $0xFFFFFFFF;
	p2 =	slt.u32 s8, $0xFFFFF086  }
0x1c: {  	p1 =	slt.u32 s9, $0xF7A;
	s5 =	simm.s32 @!p2 $0x0  }
0x1d: {  	s5 =	simm.s32 @p1 $0x1;
	p0 =	seq.s32 s7, s2  }
0x1e: {  	s7 =	smul.u32 @!p0 $0xF7A, s2;
	p2 =	seq.s32 @!p0 s5, $0x0  }
0x1f: {  	s9 =	smul.u32 $0xF7A, s1;
	s8 =	simm.s32 @!p0 $0x1BF5;
	p2 =	por !p2, p0  }
0x20: {  	[sflag:s8] =	ssyncset.s32 @!p0 $0xFFFFF086;
	s6 =	sadd.s32 @!p0 s3, s7;
	s7 =	simm.s32 @!p0 $0x108  }
0x21: {  	s3 =	sadd.s32 s3, s9;
	s6 =	sadd.s32 @!p0 $0x88, s6;
	s7 =	simm.s32 @p2 $0x1082  }
0x22: {  	[simem:s7], [sflag:s8] =	dma.local @!p0 [hbm:s6], $0xF7A  }
0x23: {  	s9 =	sor.u32 $0xD0000000, s2;
	s6 =	simm.s32 $0x108;
	_ =	swait.ge @!p0 [sflag:s8], $0x0  }
0x24: {  	s3 =	sadd.s32 $0x88, s3;
	s6 =	simm.s32 @!p1 $0x1082;
	[sflag:s4] =	ssyncset.s32 $0xFFFFF086  }
0x25: {  	[simem:s6], [sflag:s4] =	dma.local [hbm:s3], $0xF7A  }
0x26: {  	[smem:$0x3F91] =	sst s1;
	(tag) =	ssettag s2;
	_ =	strace s9  }
0x27: {  	s1 =	sld [smem:$0x3FA1]  }
0x28: {  	s2 =	sld [smem:$0x3FA2]  }
0x29: {  	s4 =	sld [smem:$0x3FA4]  }
0x2a: {  	p0 =	seq.s32 s5, $0x0;
	s5 =	sld [smem:$0x3FA5]  }
0x2b: {  	s6 =	sld [smem:$0x3FA6]  }
0x2c: {  	s7 =	sld [smem:$0x3FA7]  }
0x2d: {  	s3 =	simm.s32 $0x108;
	s8 =	sld [smem:$0x3FA8]  }
0x2e: {  	s3 =	simm.s32 @!p0 $0x1082;
	s9 =	sld [smem:$0x3FA9]  }
0x2f: {  	lr =	sadd.s32 s0, s3;
	s0 =	sld [smem:$0x3FA0]  }
0x30: {  	s3 =	sld [smem:$0x3FA3]  }
0x31: {  	[smem:$0x3FAC] =	sst s10  }
0x32: {  	s10 =	sld [smem:$0x3FAA];
	_ =	sdelay $0x3  }
0x33: {  	p0 =	seq.s32 s10, $0x1;
	s10 =	sld [smem:$0x3FAC];
	_ =	sdelay $0x3  }
0x34: {  	[smem:$0x3FAC] =	sst s10  }
0x35: {  	s10 =	sld [smem:$0x3FAB];
	_ =	sdelay $0x3  }
0x36: {  	p1 =	seq.s32 s10, $0x1;
	s10 =	sld [smem:$0x3FAC];
	_ =	sdelay $0x3  }
0x37: {  	[smem:$0x3FAC] =	sst s10  }
0x38: {  	s10 =	sld [smem:$0x3FAD]  }
0x39: {  	_ = 	snop;
	(pc) =	sbr.ind lr, $3  }
0x3a: {  	_ = 	snop  }
0x3b: {  	_ = 	snop  }
0x3c: {  	p2 =	seq.s32 s10, $0x1;
	s10 =	sld [smem:$0x3FAC]  }
0x3d: {  	_ =	shalt  }
0x3e: {  	_ =	shalt  }
0x3f: {  	_ =	shalt  }
0x40: {  	_ =	shalt  }
0x41: {  	_ =	shalt  }
0x42: {  	_ =	shalt  }
0x43: {  	_ =	shalt  }
0x44: {  	_ =	shalt  }
0x45: {  	_ =	shalt  }
0x46: {  	_ =	shalt  }
0x47: {  	_ =	shalt  }
0x48: {  	_ =	shalt  }
0x49: {  	_ =	shalt  }
0x4a: {  	_ =	shalt  }
0x4b: {  	_ =	shalt  }
0x4c: {  	_ =	shalt  }
0x4d: {  	_ =	shalt  }
0x4e: {  	_ =	shalt  }
0x4f: {  	_ =	shalt  }
0x50: {  	_ =	shalt  }
0x51: {  	_ =	shalt  }
0x52: {  	_ =	shalt  }
0x53: {  	_ =	shalt  }
0x54: {  	_ =	shalt  }
0x55: {  	_ =	shalt  }
0x56: {  	_ =	shalt  }
0x57: {  	_ =	shalt  }
0x58: {  	_ =	shalt  }
0x59: {  	_ =	shalt  }
0x5a: {  	_ =	shalt  }
0x5b: {  	_ =	shalt  }
0x5c: {  	_ =	shalt  }
0x5d: {  	_ =	shalt  }
0x5e: {  	_ =	shalt  }
0x5f: {  	_ =	shalt  }
0x60: {  	_ =	shalt  }
0x61: {  	_ =	shalt  }
0x62: {  	_ =	shalt  }
0x63: {  	_ =	shalt  }
0x64: {  	_ =	shalt  }
0x65: {  	_ =	shalt  }
0x66: {  	_ =	shalt  }
0x67: {  	_ =	shalt  }
0x68: {  	_ =	shalt  }
0x69: {  	_ =	shalt  }
0x6a: {  	_ =	shalt  }
0x6b: {  	_ =	shalt  }
0x6c: {  	_ =	shalt  }
0x6d: {  	_ =	shalt  }
0x6e: {  	_ =	shalt  }
0x6f: {  	_ =	shalt  }
0x70: {  	_ =	shalt  }
0x71: {  	_ =	shalt  }
0x72: {  	_ =	shalt  }
0x73: {  	_ =	shalt  }
0x74: {  	_ =	shalt  }
0x75: {  	_ =	shalt  }
0x76: {  	_ =	shalt  }
0x77: {  	_ =	shalt  }
0x78: {  	_ =	shalt  }
0x79: {  	_ =	shalt  }
0x7a: {  	_ =	shalt  }
0x7b: {  	_ =	shalt  }
0x7c: {  	_ =	shalt  }
0x7d: {  	_ =	shalt  }
0x7e: {  	_ =	shalt  }
0x7f: {  	_ =	shalt  }
0x80: {  	_ =	shalt  }
0x81: {  	_ =	shalt  }
0x82: {  	_ =	shalt  }
0x83: {  	_ =	shalt  }
0x84: {  	_ =	shalt  }
0x85: {  	_ =	shalt  }
0x86: {  	_ =	shalt  }
0x87: {  	_ =	shalt  }
.Lfunc_end0:
.L_simem_size_0:
called_computation_lowered:
.L_overlay_start_0:
0x88: {  	s2 =	sld [smem:$0x3FD9]  }
0x89: {  	s3 =	sld [smem:$0x3FFE];
	_ =	sdelay $0x1  }
0x8a: {  	s1 =	srdreg.scid  }
0x8b: {  	s0 =	sand.u32 $0x1, s1  }
0x8c: {  	s14 =	sshll.u32 s0, $0xA;
	s2 =	sadd.s32 s3, s2  }
0x8d: {  	s2 =	sadd.s32 s2, s14  }
0x8e: {  	[smem:$0x3FB8] =	sst s2  }
0x8f: {  	_ = 	snop  }
0x90: {  	s2 =	sld [smem:$0x3FD0];
	_ =	sdelay $0x2  }
0x91: {  	s15 =	simm.s32 $0xA;
	s4 =	simm.s32 $0x10  }
0x92: {  	[smem:s4], [sflag:s15] =	dma.local [hbm:s2], $0x1  }
0x93: {  	_ =	swait.eq [sflag:s15], $0x1  }
0x94: {  	[sflag:s15] =	ssyncset.done $0x0  }
0x95: {  	s16 =	sld [smem:$0x10];
	[sflag:s15] =	ssyncadd.s32 $0xFFFFFFFF  }
0x96: {  	s17 =	sld [smem:$0x11];
	(tm) =	ssettm $0x1  }
0x97: {  	s18 =	sld [smem:$0x3FFB];
	_ =	sdelay $0x3  }
0x98: {  	_ =	strace s18  }
0x99: {  	s4 =	sld [smem:$0x3FFC];
	_ =	sdelay $0x3  }
0x9a: {  	_ =	strace s4  }
0x9b: {  	s4 =	sld [smem:$0x3FFD];
	_ =	sdelay $0x3  }
0x9c: {  	_ =	strace s4  }
0x9d: {  	_ =	strace $0x8FFFFFFF  }
0x9e: {  	s19 =	sld [smem:$0x3FDB];
	_ =	sdelay $0x1  }
0x9f: {  	s5 =	simm.s32 $_scs_section_size  }
0xa0: {  	s6 =	simm.s32 $_size__tile_overlayer_lowered;
	s7 =	simm.s32 $_tile_overlayer_lowered  }
0xa1: {  	s22 =	simm.s32 $0x1BFF;
	s21 =	sshll.u32 s7, $0x1;
	s4 =	sadd.s32 s5, s19  }
0xa2: {  	s8 =	simm.s32 $0x0;
	s20 =	sshll.u32 s6, $0x1;
	s6 =	sadd.s32 s21, s4  }
0xa3: {  	[timem:s8], [sflag:s22] =	dma.local [hbm:s6], s20  }
0xa4: {  	_ =	swait.ge [sflag:s22], s20  }
0xa5: {  	s5 =	ssub.s32 $0x0, s20;
	[sflag:s22] =	ssyncset.done $0x0  }
0xa6: {  	[sflag:s22] =	ssyncadd.s32 s5;
	_ =	sdelay $0x1  }
0xa7: {  	s23 =	simm.s32 $0x1B8B  }
0xa8: {  	_ =	swait.ge [sflag:s23], $0x1  }
0xa9: {  	[sflag:s23] =	ssyncset.done $0x0  }
0xaa: {  	s25 =	simm.s32 $0x1B8E;
	s24 =	sld [smem:$0x3FFE];
	[sflag:s23] =	ssyncadd.s32 $0xFFFFFFFF  }
0xab: {  	s26 =	simm.s32 $execute0_lowered;
	[smem:$0x3FD2] =	sst s25  }
0xac: {  	s6 =	sshll.u32 s26, $0x1;
	_ =	strace $0x80000046;
	[dreg:$0x1] =	wrdreg $0xFFFFFFFF  }
0xad: {  	s28 =	simm.s32 $_size_execute0_lowered;
	s4 =	sadd.s32 s4, s6;
	[dreg:$0x0] =	wrdreg $0x0  }
0xae: {  	s6 =	sshll.u32 s28, $0x1;
	[dreg:$0x2] =	wrdreg s4  }
0xaf: {  	[dreg:$0x3] =	wrdreg s6  }
0xb0: {  	[dreg:$0x4] =	wrdreg $0xC0  }
0xb1: {  	_ =	task [dreg:s8], $0x5FFFF  }
0xb2: {  	[dreg:$0x1] =	wrdreg $0xFFFFFFFF  }
0xb3: {  	[dreg:$0x0] =	wrdreg $0x60  }
0xb4: {  	[dreg:$0x2] =	wrdreg s24  }
0xb5: {  	[dreg:$0x3] =	wrdreg s17  }
0xb6: {  	[dreg:$0x4] =	wrdreg s16  }
0xb7: {  	[dreg:$0x5] =	wrdreg $0x98000  }
0xb8: {  	[dreg:$0x6] =	wrdreg $0x9  }
0xb9: {  	_ =	task.clear_ibuf [dreg:s8], $0x7FFFF;
	_ =	strace $0x90000046  }
0xba: {  	s29 =	simm.s32 $0x9;
	_ =	strace $0x80000048  }
0xbb: {  	_ =	swait.ge [sflag:s29], $0x1  }
0xbc: {  	[sflag:s29] =	ssyncadd.s32 $0xFFFFFFFF  }
0xbd: {  	_ =	strace $0x90000048  }
0xbe: {  	_ =	sfence  }
0xbf: {  	s30 =	sld [smem:$0x0];
	_ =	sdelay $0x2  }
0xc0: {  	s31 =	sshll.u32 s1, $0xD;
	s1 =	sshrl.u32 s1, $0x2  }
0xc1: {  	s3 =	sand.u32 $0x4000, s31;
	s1 =	sadd.s32 s1, s30  }
0xc2: {  	s0 =	sor.u32 s3, s0;
	s1 =	sshll.u32 s1, $0x11  }
0xc3: {  	s0 =	sor.u32 s1, s0  }
0xc4: {  	s0 =	sadd.s32 $0x8F2B, s0  }
0xc5: {  	[sflag:s0] =	ssyncadd.remote.s32 $0x1  }
0xc6: {  	_ =	sfence.sel $0xFFFF  }
0xc7: {  	[dreg:$0x0] =	wrdreg $0xFFFFFFFF;
	(pc) =	sbr.abs _section_cstart, $3  }
0xc8: {  	[dreg:$0x1] =	wrdreg $0xFFFFFFFF  }
0xc9: {  	_ =	task.clear_ibuf [dreg:s8], $0x2FFFF;
	_ =	strace $0x9FFFFFFF  }
0xca: {  	(tm) =	ssettm $0x7FFFFFFF  }
0xcb: {  	_ =	shalt  }
tec
execute0_lowered:
.L_overlay_start_1:
0x0: {  	(tag) =	ssettag $0x1  }
0x1: {  	s0 =	rddreg [dreg:$0x0]  }
0x2: {  	s3 =	rddreg [dreg:$0x3];
	s8 =	simm.s32 $0x0  }
0x3: {  	s23 =	srdreg.scid;
	s6 =	stileid.u32;
	s18 =	simm.s32 $0x9  }
0x4: {  	s20 =	simm.s32 $0x20;
	s19 =	simm.s32 $0x800;
	s21 =	simm.s32 $0x2C00  }
0x5: {  	s22 =	simm.s32 $0x7400;
	s11 =	simm.s32 $0x1;
	s12 =	simm.s32 $0x8600  }
0x6: {  	s10 =	simm.s32 $0x2;
	s14 =	simm.s32 $0x4;
	s15 =	simm.s32 $0x6  }
0x7: {  	[smem:$0x7FF] =	sst s8;
	s5 =	sadd.s32 $0x16000, s0;
	s1 =	sadd.s32 $0xC000, s0  }
0x8: {  	s2 =	sadd.s32 $0x2000, s0;
	_ =	strace $0x80000047;
	[dreg:$0x6] =	wrdreg s1  }
0x9: {  	s7 =	sadd.s32 $0x43C00, s0;
	s24 =	sadd.s32 $0x71800, s0;
	[dreg:$0x7] =	wrdreg s2  }
0xa: {  	s4 =	smul.u32 $0x15F90, s6;
	s9 =	sadd.s32 $0x74400, s0;
	[dreg:$0x8] =	wrdreg s24  }
0xb: {  	s0 =	sadd.s32 $0xA0400, s0;
	s29 =	smul.u32 $0x5000, s6;
	[dreg:$0x9] =	wrdreg s9  }
0xc: {  	s31 =	sshll.u32 s6, $0x6;
	s1 =	sand.u32 $0x1, s23;
	[dreg:$0xa] =	wrdreg s0  }
0xd: {  	s2 =	sor.u32 $0x1C09, s31;
	s25 =	ssub.s32 $0x2, s1;
	p0 =	seq.s32 s1, $0x1  }
.Ltmp0:
0xe: {  	s28 =	sadd.s32 s4, s3;
	[dreg:$0xb] =	wrdreg s29;
	(pc) =	sbr.rel .LBB2_1-.Ltmp0, $4  }
0xf: {  	s30 =	sshrl.u32 s4, $0x3;
	[dreg:$0xe] =	wrdreg s2;
	s26 =	sshrl.u32 s25, $0x1  }
0x10: {  	[dreg:$0xc] =	wrdreg s30;
	s1 =	sshrl.u32 s28, $0x3;
	s0 =	ssub.s32 s25, s26  }
0x11: {  	s16 =	simm.s32 $0x8;
	[dreg:$0xf] =	wrdreg s1;
	s0 =	smax.u32 s0, $0x1  }
0x12: {  	s6 =	simm.s32 $0x60;
	s24 =	simm.s32 $0x5000;
	[dreg:$0xd] =	wrdreg s0  }
.LBB2_10:
0x13: {  	s1 =	rddreg [dreg:$0xc];
	[bflag:$0x0] =	sbarrier.arrive $0xFFFF  }
0x14: {  	s2 =	rddreg [dreg:$0xe]  }
0x15: {  	s0 =	sadd.s32 s0, s1;
	s1 =	rddreg [dreg:$0xf]  }
0x16: {  	[hbm:s0], [sflag:s2] =	dma.local [spmem:s1], $0x2BF2  }
0x17: {  	_ =	swait.ge [sflag:s18], $0x2BF2  }
0x18: {  	s8 =	sadd.s32 $0x1, s8;
	s31 =	rddreg [dreg:$0xd]  }
0x19: {  	p1 =	sne.s32 s8, s31  }
.Ltmp1:
0x1a: {  	_ = 	snop;
	(pc) =	sbr.rel @!p1 .LBB2_11-.Ltmp1, $3  }
0x1b: {  	_ =	sdelay $0x1  }
0x1c: {  	[sflag:s18] =	ssyncset.done $0x0  }
0x1d: {  	[sflag:s18] =	ssyncadd.s32 $0xFFFFD40E  }
.LBB2_1:
0x1e: {  	[dreg:$0x5] =	wrdreg s8  }
0x1f: {  	s0 =	rddreg [dreg:$0x8]  }
0x20: {  	[spmem:s1], [sflag:s2] =	dma.local [hbm:s0], $0x2BF2  }
.Ltmp2:
0x21: {  	_ =	swait.ge [sflag:s18], $0x2BF2;
	(pc) =	sbr.rel @!p0 .LBB2_2-.Ltmp2, $4  }
0x22: {  	[sflag:s18] =	ssyncset.done $0x0  }
0x23: {  	[sflag:s18] =	ssyncadd.s32 $0xFFFFD40E  }
0x24: {  	[bflag:$0x0] =	sbarrier.arrive $0xFFFF  }
0x25: {  	s0 =	simm.s32 $0x0;
	s1 =	simm.s32 $0x0  }
.LBB2_6:
0x26: {  	s0 =	sshll.u32 s1, $0xA  }
0x27: {  	s0 =	sadd.s32 s29, s0  }
0x28: {  	s29 =	rddreg [dreg:$0x6];
	s0 =	sshrl.u32 s0, $0x3  }
0x29: {  	[dreg:$0x11] =	wrdreg s1;
	s2 =	simm.s32 $0x0;
	s1 =	sadd.s32 s29, s0  }
0x2a: {  	[tilespmem:s2], [sflag:$0x9] =	stream.linear.gather [hbm4b:s1+s2], $0x400, $0x38;
	[tilespmem:$0x1F790] =	vst v63  }
0x2b: {  	_ =	swait.ge [sflag:s18], $0x400  }
0x2c: {  	[sflag:s18] =	ssyncset.done $0x0;
	s30 =	rddreg [dreg:$0x7]  }
0x2d: {  	s31 =	simm.s32 $0x400;
	[sflag:s18] =	ssyncadd.s32 $0xFFFFFC00;
	s0 =	sadd.s32 s30, s0  }
0x2e: {  	[tilespmem:s31], [sflag:$0x9] =	stream.linear.gather [hbm4b:s0+s2], $0x400, $0x38;
	[tilespmem:$0x1F790] =	vst v63  }
0x2f: {  	_ =	swait.ge [sflag:s18], $0x400  }
0x30: {  	[sflag:s18] =	ssyncset.done $0x0  }
0x31: {  	[sflag:s18] =	ssyncadd.s32 $0xFFFFFC00  }
0x32: {  	[tilespmem:s19], [sflag:$0x1] =	stream.indirect.gather [hbm4b:s7+s20], $0x90, s2, s20, $0xb8;
	[tilespmem:$0x1F790] =	vst v63  }
0x33: {  	s2 =	simm.s32 $0x1A00  }
0x34: {  	[tilespmem:s2], [sflag:$0x2] =	stream.indirect.gather [hbm4b:s7+s20], $0x90, s20, s20, $0xb8;
	[tilespmem:$0x1F790] =	vst v63  }
0x35: {  	s4 =	simm.s32 $0x40  }
0x36: {  	[tilespmem:s21], [sflag:$0x3] =	stream.indirect.gather [hbm4b:s7+s20], $0x90, s4, s20, $0xb8;
	[tilespmem:$0x1F790] =	vst v63  }
0x37: {  	s8 =	simm.s32 $0x3E00  }
0x38: {  	[tilespmem:s8], [sflag:$0x4] =	stream.indirect.gather [hbm4b:s7+s20], $0x90, s6, s20, $0xb8;
	[tilespmem:$0x1F790] =	vst v63  }
0x39: {  	s9 =	simm.s32 $0x80  }
0x3a: {  	[tilespmem:s24], [sflag:$0x5] =	stream.indirect.gather [hbm4b:s7+s20], $0x90, s9, s20, $0xb8;
	[tilespmem:$0x1F790] =	vst v63  }
0x3b: {  	s13 =	simm.s32 $0xA0;
	s17 =	simm.s32 $0x6200  }
0x3c: {  	[tilespmem:s17], [sflag:$0x6] =	stream.indirect.gather [hbm4b:s7+s20], $0x90, s13, s20, $0xb8;
	[tilespmem:$0x1F790] =	vst v63  }
0x3d: {  	s23 =	simm.s32 $0xC0  }
0x3e: {  	[tilespmem:s22], [sflag:$0x7] =	stream.indirect.gather [hbm4b:s7+s20], $0x90, s23, s20, $0xb8;
	[tilespmem:$0x1F790] =	vst v63  }
0x3f: {  	_ =	swait.ge [sflag:s11], $0x1200  }
0x40: {  	[sflag:s11] =	ssyncset.done $0x0  }
0x41: {  	s25 =	simm.s32 $0xE0;
	[sflag:s11] =	ssyncadd.s32 $0xFFFFEE00  }
0x42: {  	[tilespmem:s12], [sflag:$0x8] =	stream.indirect.gather [hbm4b:s7+s20], $0x90, s25, s20, $0xb8;
	[tilespmem:$0x1F790] =	vst v63  }
0x43: {  	s26 =	simm.s32 $0x400  }
0x44: {  	[spmem:s3] =	stream.indirect.scatter.add.f32 [tilespmem:s19], [sflag:$0x9], $0x90, s26, s20, $0xb8;
	[tilespmem:$0x1F790] =	vst v63  }
0x45: {  	_ =	swait.ge [sflag:s18], $0x1200  }
0x46: {  	[sflag:s18] =	ssyncset.done $0x0  }
0x47: {  	[sflag:s18] =	ssyncadd.s32 $0xFFFFEE00  }
0x48: {  	p1 =	por $0x0, $0x0;
	_ =	swait.ge [sflag:s10], $0x1200  }
0x49: {  	s1 =	simm.s32 @p1 $0x420;
	[sflag:s10] =	ssyncset.done $0x0  }
0x4a: {  	s0 =	simm.s32 @p1 $0x20;
	s2 =	simm.s32 @p1 $0x1A00;
	[sflag:s10] =	ssyncadd.s32 $0xFFFFEE00  }
0x4b: {  	[spmem:s3] =	stream.indirect.scatter.add.f32 @p1 [tilespmem:s2], [sflag:$0x9], $0x90, s1, s0, $0xb8;
	[tilespmem:$0x1F790] =	vst v63  }
0x4c: {  	s2 =	simm.s32 @p1 $0x9  }
0x4d: {  	_ =	swait.ge @p1 [sflag:s2], $0x1200  }
0x4e: {  	[sflag:s2] =	ssyncset.done @p1 $0x0  }
0x4f: {  	s8 =	simm.s32 @p1 $0x3;
	[sflag:s2] =	ssyncadd.s32 @p1 $0xFFFFEE00  }
0x50: {  	_ =	swait.ge @p1 [sflag:s8], $0x1200  }
0x51: {  	s9 =	simm.s32 @!p1 $0x100;
	[sflag:s8] =	ssyncset.done @p1 $0x0  }
0x52: {  	s13 =	simm.s32 @!p1 $0x800;
	s1 =	simm.s32 @!p1 $0x20;
	[sflag:s8] =	ssyncadd.s32 @p1 $0xFFFFEE00  }
0x53: {  	[tilespmem:s13], [sflag:$0x1] =	stream.indirect.gather @!p1 [hbm4b:s7+s1], $0x90, s9, s1, $0xb8;
	[tilespmem:$0x1F790] =	vst v63  }
0x54: {  	s8 =	simm.s32 @!p1 $0x9;
	s9 =	simm.s32 @!p1 $0x420;
	s13 =	simm.s32 @!p1 $0x1A00  }
0x55: {  	[spmem:s3] =	stream.indirect.scatter.add.f32 @!p1 [tilespmem:s13], [sflag:$0x9], $0x90, s9, s1, $0xb8;
	[tilespmem:$0x1F790] =	vst v63  }
0x56: {  	_ =	swait.ge @!p1 [sflag:s8], $0x1200  }
0x57: {  	[sflag:s8] =	ssyncset.done @!p1 $0x0  }
0x58: {  	s9 =	simm.s32 @!p1 $0x3;
	[sflag:s8] =	ssyncadd.s32 @!p1 $0xFFFFEE00  }
0x59: {  	_ =	swait.ge @!p1 [sflag:s9], $0x1200  }
0x5a: {  	[sflag:s9] =	ssyncset.done @!p1 $0x0  }
0x5b: {  	[sflag:s9] =	ssyncadd.s32 @!p1 $0xFFFFEE00;
	s9 =	simm.s32 @!p1 $0x120  }
0x5c: {  	[tilespmem:s13], [sflag:$0x2] =	stream.indirect.gather @!p1 [hbm4b:s7+s1], $0x90, s9, s1, $0xb8;
	[tilespmem:$0x1F790] =	vst v63  }
0x5d: {  	s28 =	simm.s32 $0x440  }
0x5e: {  	[spmem:s3] =	stream.indirect.scatter.add.f32 [tilespmem:s21], [sflag:$0x9], $0x90, s28, s20, $0xb8;
	[tilespmem:$0x1F790] =	vst v63  }
0x5f: {  	_ =	swait.ge [sflag:s18], $0x1200  }
0x60: {  	[sflag:s18] =	ssyncset.done $0x0  }
0x61: {  	[sflag:s18] =	ssyncadd.s32 $0xFFFFEE00  }
0x62: {  	_ =	swait.ge [sflag:s14], $0x1200  }
0x63: {  	[sflag:s14] =	ssyncset.done $0x0  }
0x64: {  	s9 =	simm.s32 @p1 $0x460;
	s13 =	simm.s32 @p1 $0x3E00;
	[sflag:s14] =	ssyncadd.s32 $0xFFFFEE00  }
0x65: {  	[spmem:s3] =	stream.indirect.scatter.add.f32 @p1 [tilespmem:s13], [sflag:$0x9], $0x90, s9, s0, $0xb8;
	[tilespmem:$0x1F790] =	vst v63  }
0x66: {  	_ =	swait.ge @p1 [sflag:s2], $0x1200  }
0x67: {  	[sflag:s2] =	ssyncset.done @p1 $0x0  }
0x68: {  	s9 =	simm.s32 @p1 $0x5;
	[sflag:s2] =	ssyncadd.s32 @p1 $0xFFFFEE00  }
0x69: {  	_ =	swait.ge @p1 [sflag:s9], $0x1200  }
0x6a: {  	[sflag:s9] =	ssyncset.done @p1 $0x0  }
0x6b: {  	s13 =	simm.s32 @!p1 $0x140;
	[sflag:s9] =	ssyncadd.s32 @p1 $0xFFFFEE00;
	s9 =	simm.s32 @!p1 $0x2C00  }
0x6c: {  	[tilespmem:s9], [sflag:$0x3] =	stream.indirect.gather @!p1 [hbm4b:s7+s1], $0x90, s13, s1, $0xb8;
	[tilespmem:$0x1F790] =	vst v63  }
0x6d: {  	s9 =	simm.s32 @!p1 $0x460;
	s13 =	simm.s32 @!p1 $0x3E00  }
0x6e: {  	[spmem:s3] =	stream.indirect.scatter.add.f32 @!p1 [tilespmem:s13], [sflag:$0x9], $0x90, s9, s1, $0xb8;
	[tilespmem:$0x1F790] =	vst v63  }
0x6f: {  	_ =	swait.ge @!p1 [sflag:s8], $0x1200  }
0x70: {  	[sflag:s8] =	ssyncset.done @!p1 $0x0  }
0x71: {  	s9 =	simm.s32 @!p1 $0x5;
	[sflag:s8] =	ssyncadd.s32 @!p1 $0xFFFFEE00  }
0x72: {  	_ =	swait.ge @!p1 [sflag:s9], $0x1200  }
0x73: {  	[sflag:s9] =	ssyncset.done @!p1 $0x0  }
0x74: {  	[sflag:s9] =	ssyncadd.s32 @!p1 $0xFFFFEE00;
	s9 =	simm.s32 @!p1 $0x160  }
0x75: {  	[tilespmem:s13], [sflag:$0x4] =	stream.indirect.gather @!p1 [hbm4b:s7+s1], $0x90, s9, s1, $0xb8;
	[tilespmem:$0x1F790] =	vst v63  }
0x76: {  	s29 =	simm.s32 $0x480  }
0x77: {  	[spmem:s3] =	stream.indirect.scatter.add.f32 [tilespmem:s24], [sflag:$0x9], $0x90, s29, s20, $0xb8;
	[tilespmem:$0x1F790] =	vst v63  }
0x78: {  	_ =	swait.ge [sflag:s18], $0x1200  }
0x79: {  	[sflag:s18] =	ssyncset.done $0x0  }
0x7a: {  	[sflag:s18] =	ssyncadd.s32 $0xFFFFEE00  }
0x7b: {  	_ =	swait.ge [sflag:s15], $0x1200  }
0x7c: {  	[sflag:s15] =	ssyncset.done $0x0  }
0x7d: {  	s9 =	simm.s32 @p1 $0x4A0;
	s13 =	simm.s32 @p1 $0x6200;
	[sflag:s15] =	ssyncadd.s32 $0xFFFFEE00  }
0x7e: {  	[spmem:s3] =	stream.indirect.scatter.add.f32 @p1 [tilespmem:s13], [sflag:$0x9], $0x90, s9, s0, $0xb8;
	[tilespmem:$0x1F790] =	vst v63  }
0x7f: {  	_ =	swait.ge @p1 [sflag:s2], $0x1200  }
0x80: {  	[sflag:s2] =	ssyncset.done @p1 $0x0  }
0x81: {  	s0 =	simm.s32 @p1 $0x7;
	[sflag:s2] =	ssyncadd.s32 @p1 $0xFFFFEE00  }
0x82: {  	_ =	swait.ge @p1 [sflag:s0], $0x1200  }
0x83: {  	[sflag:s0] =	ssyncset.done @p1 $0x0  }
0x84: {  	s2 =	simm.s32 @!p1 $0x180;
	[sflag:s0] =	ssyncadd.s32 @p1 $0xFFFFEE00;
	s0 =	simm.s32 @!p1 $0x5000  }
0x85: {  	[tilespmem:s0], [sflag:$0x5] =	stream.indirect.gather @!p1 [hbm4b:s7+s1], $0x90, s2, s1, $0xb8;
	[tilespmem:$0x1F790] =	vst v63  }
0x86: {  	s0 =	simm.s32 @!p1 $0x4A0;
	s2 =	simm.s32 @!p1 $0x6200  }
0x87: {  	[spmem:s3] =	stream.indirect.scatter.add.f32 @!p1 [tilespmem:s2], [sflag:$0x9], $0x90, s0, s1, $0xb8;
	[tilespmem:$0x1F790] =	vst v63  }
0x88: {  	_ =	swait.ge @!p1 [sflag:s8], $0x1200  }
0x89: {  	[sflag:s8] =	ssyncset.done @!p1 $0x0  }
0x8a: {  	s0 =	simm.s32 @!p1 $0x7;
	[sflag:s8] =	ssyncadd.s32 @!p1 $0xFFFFEE00  }
0x8b: {  	_ =	swait.ge @!p1 [sflag:s0], $0x1200  }
0x8c: {  	[sflag:s0] =	ssyncset.done @!p1 $0x0  }
0x8d: {  	[sflag:s0] =	ssyncadd.s32 @!p1 $0xFFFFEE00;
	s0 =	simm.s32 @!p1 $0x1A0  }
0x8e: {  	[tilespmem:s2], [sflag:$0x6] =	stream.indirect.gather @!p1 [hbm4b:s7+s1], $0x90, s0, s1, $0xb8;
	[tilespmem:$0x1F790] =	vst v63  }
0x8f: {  	s30 =	simm.s32 $0x4C0  }
0x90: {  	[spmem:s3] =	stream.indirect.scatter.add.f32 [tilespmem:s22], [sflag:$0x9], $0x90, s30, s20, $0xb8;
	[tilespmem:$0x1F790] =	vst v63  }
0x91: {  	_ =	swait.ge [sflag:s18], $0x1200  }
0x92: {  	[sflag:s18] =	ssyncset.done $0x0  }
0x93: {  	[sflag:s18] =	ssyncadd.s32 $0xFFFFEE00  }
0x94: {  	_ =	swait.ge [sflag:s16], $0x1200  }
0x95: {  	[sflag:s16] =	ssyncset.done $0x0  }
0x96: {  	s0 =	simm.s32 @!p1 $0x1C0;
	s2 =	simm.s32 @!p1 $0x7400;
	[sflag:s16] =	ssyncadd.s32 $0xFFFFEE00  }
0x97: {  	[tilespmem:s2], [sflag:$0x7] =	stream.indirect.gather @!p1 [hbm4b:s7+s1], $0x90, s0, s1, $0xb8;
	[tilespmem:$0x1F790] =	vst v63  }
0x98: {  	s31 =	simm.s32 $0x4E0  }
0x99: {  	[spmem:s3] =	stream.indirect.scatter.add.f32 [tilespmem:s12], [sflag:$0x9], $0x90, s31, s20, $0xb8;
	[tilespmem:$0x1F790] =	vst v63  }
0x9a: {  	s17 =	simm.s32 $0x400;
	_ =	swait.ge [sflag:s18], $0x1200  }
.LBB2_7:
0x9b: {  	[sflag:s18] =	ssyncset.done $0x0;
	s0 =	smov.u32 s17;
	s17 =	sadd.s32 $0x400, s17  }
0x9c: {  	p1 =	sne.s32 s17, $0x1000;
	[sflag:s18] =	ssyncadd.s32 $0xFFFFEE00  }
0x9d: {  	_ =	swait.ge [sflag:s11], $0x1200  }
0x9e: {  	s1 =	sshra.s32 s0, $0x2;
	[sflag:s11] =	ssyncset.done $0x0  }
0x9f: {  	s2 =	sadd.s32 $0xE0, s1;
	[sflag:s11] =	ssyncadd.s32 $0xFFFFEE00  }
0xa0: {  	[tilespmem:s12], [sflag:$0x8] =	stream.indirect.gather [hbm4b:s7+s20], $0x90, s2, s20, $0xb8;
	[tilespmem:$0x1F790] =	vst v63  }
0xa1: {  	s2 =	sadd.s32 $0x400, s1  }
0xa2: {  	[spmem:s3] =	stream.indirect.scatter.add.f32 [tilespmem:s19], [sflag:$0x9], $0x90, s2, s20, $0xb8;
	[tilespmem:$0x1F790] =	vst v63  }
0xa3: {  	_ =	swait.ge [sflag:s18], $0x1200  }
0xa4: {  	[sflag:s18] =	ssyncset.done $0x0  }
0xa5: {  	[sflag:s18] =	ssyncadd.s32 $0xFFFFEE00  }
0xa6: {  	s6 =	simm.s32 $0x2C00;
	p2 =	seq.s32 s0, $0xC00;
	_ =	swait.ge [sflag:s10], $0x1200  }
0xa7: {  	s9 =	simm.s32 @p2 $0x20;
	s2 =	sshra.s32 @p2 s0, $0x2;
	[sflag:s10] =	ssyncset.done $0x0  }
0xa8: {  	s13 =	simm.s32 @p2 $0x1A00;
	s8 =	sadd.s32 @p2 $0x420, s2;
	[sflag:s10] =	ssyncadd.s32 $0xFFFFEE00  }
0xa9: {  	[spmem:s3] =	stream.indirect.scatter.add.f32 @p2 [tilespmem:s13], [sflag:$0x9], $0x90, s8, s9, $0xb8;
	[tilespmem:$0x1F790] =	vst v63  }
0xaa: {  	s19 =	simm.s32 @p2 $0x9;
	s8 =	sshra.s32 @!p2 s0, $0x2;
	s13 =	sadd.s32 @p2 $0x460, s2  }
0xab: {  	s21 =	sadd.s32 @!p2 $0x100, s8;
	s24 =	sadd.s32 @!p2 $0x420, s8;
	_ =	swait.ge @p2 [sflag:s19], $0x1200  }
0xac: {  	s22 =	simm.s32 @p2 $0x3;
	s4 =	sadd.s32 @!p2 $0x120, s8;
	[sflag:s19] =	ssyncset.done @p2 $0x0  }
0xad: {  	s0 =	sadd.s32 @!p2 $0x140, s8;
	s31 =	sadd.s32 @!p2 $0x460, s8;
	[sflag:s19] =	ssyncadd.s32 @p2 $0xFFFFEE00  }
0xae: {  	s28 =	sadd.s32 @p2 $0x4A0, s2;
	s30 =	sadd.s32 @!p2 $0x160, s8;
	_ =	swait.ge @p2 [sflag:s22], $0x1200  }
0xaf: {  	s23 =	simm.s32 @!p2 $0x800;
	s2 =	simm.s32 @!p2 $0x20;
	[sflag:s22] =	ssyncset.done @p2 $0x0  }
0xb0: {  	s29 =	simm.s32 @!p2 $0x1A00;
	s25 =	sadd.s32 @!p2 $0x180, s8;
	[sflag:s22] =	ssyncadd.s32 @p2 $0xFFFFEE00  }
0xb1: {  	[tilespmem:s23], [sflag:$0x1] =	stream.indirect.gather @!p2 [hbm4b:s7+s2], $0x90, s21, s2, $0xb8;
	[tilespmem:$0x1F790] =	vst v63  }
0xb2: {  	s26 =	sadd.s32 @!p2 $0x4A0, s8;
	s22 =	sadd.s32 @!p2 $0x1A0, s8;
	s23 =	simm.s32 @!p2 $0x9  }
0xb3: {  	[spmem:s3] =	stream.indirect.scatter.add.f32 @!p2 [tilespmem:s29], [sflag:$0x9], $0x90, s24, s2, $0xb8;
	[tilespmem:$0x1F790] =	vst v63  }
0xb4: {  	s24 =	simm.s32 $0x5000  }
0xb5: {  	s8 =	sadd.s32 @!p2 $0x1C0, s8;
	_ =	swait.ge @!p2 [sflag:s23], $0x1200  }
0xb6: {  	s21 =	simm.s32 @!p2 $0x3;
	[sflag:s23] =	ssyncset.done @!p2 $0x0  }
0xb7: {  	[sflag:s23] =	ssyncadd.s32 @!p2 $0xFFFFEE00  }
0xb8: {  	_ =	swait.ge @!p2 [sflag:s21], $0x1200  }
0xb9: {  	[sflag:s21] =	ssyncset.done @!p2 $0x0  }
0xba: {  	[sflag:s21] =	ssyncadd.s32 @!p2 $0xFFFFEE00;
	s21 =	sadd.s32 $0x440, s1  }
0xbb: {  	[tilespmem:s29], [sflag:$0x2] =	stream.indirect.gather @!p2 [hbm4b:s7+s2], $0x90, s4, s2, $0xb8;
	[tilespmem:$0x1F790] =	vst v63  }
0xbc: {  	_ = 	snop  }
0xbd: {  	[spmem:s3] =	stream.indirect.scatter.add.f32 [tilespmem:s6], [sflag:$0x9], $0x90, s21, s20, $0xb8;
	[tilespmem:$0x1F790] =	vst v63  }
0xbe: {  	s21 =	simm.s32 $0x2C00  }
0xbf: {  	_ =	swait.ge [sflag:s18], $0x1200  }
0xc0: {  	[sflag:s18] =	ssyncset.done $0x0  }
0xc1: {  	[sflag:s18] =	ssyncadd.s32 $0xFFFFEE00  }
0xc2: {  	_ =	swait.ge [sflag:s14], $0x1200  }
0xc3: {  	s4 =	simm.s32 @p2 $0x3E00;
	[sflag:s14] =	ssyncset.done $0x0  }
0xc4: {  	[sflag:s14] =	ssyncadd.s32 $0xFFFFEE00  }
0xc5: {  	[spmem:s3] =	stream.indirect.scatter.add.f32 @p2 [tilespmem:s4], [sflag:$0x9], $0x90, s13, s9, $0xb8;
	[tilespmem:$0x1F790] =	vst v63  }
0xc6: {  	_ =	swait.ge @p2 [sflag:s19], $0x1200  }
0xc7: {  	s4 =	simm.s32 @p2 $0x5;
	[sflag:s19] =	ssyncset.done @p2 $0x0  }
0xc8: {  	[sflag:s19] =	ssyncadd.s32 @p2 $0xFFFFEE00  }
0xc9: {  	_ =	swait.ge @p2 [sflag:s4], $0x1200  }
0xca: {  	s13 =	simm.s32 @!p2 $0x2C00;
	[sflag:s4] =	ssyncset.done @p2 $0x0  }
0xcb: {  	[sflag:s4] =	ssyncadd.s32 @p2 $0xFFFFEE00;
	s4 =	simm.s32 @!p2 $0x3E00  }
0xcc: {  	[tilespmem:s13], [sflag:$0x3] =	stream.indirect.gather @!p2 [hbm4b:s7+s2], $0x90, s0, s2, $0xb8;
	[tilespmem:$0x1F790] =	vst v63  }
0xcd: {  	_ = 	snop  }
0xce: {  	[spmem:s3] =	stream.indirect.scatter.add.f32 @!p2 [tilespmem:s4], [sflag:$0x9], $0x90, s31, s2, $0xb8;
	[tilespmem:$0x1F790] =	vst v63  }
0xcf: {  	_ =	swait.ge @!p2 [sflag:s23], $0x1200  }
0xd0: {  	s0 =	simm.s32 @!p2 $0x5;
	[sflag:s23] =	ssyncset.done @!p2 $0x0  }
0xd1: {  	[sflag:s23] =	ssyncadd.s32 @!p2 $0xFFFFEE00  }
0xd2: {  	_ =	swait.ge @!p2 [sflag:s0], $0x1200  }
0xd3: {  	[sflag:s0] =	ssyncset.done @!p2 $0x0  }
0xd4: {  	[sflag:s0] =	ssyncadd.s32 @!p2 $0xFFFFEE00;
	s0 =	sadd.s32 $0x480, s1  }
0xd5: {  	[tilespmem:s4], [sflag:$0x4] =	stream.indirect.gather @!p2 [hbm4b:s7+s2], $0x90, s30, s2, $0xb8;
	[tilespmem:$0x1F790] =	vst v63  }
0xd6: {  	_ = 	snop  }
0xd7: {  	[spmem:s3] =	stream.indirect.scatter.add.f32 [tilespmem:s24], [sflag:$0x9], $0x90, s0, s20, $0xb8;
	[tilespmem:$0x1F790] =	vst v63  }
0xd8: {  	_ =	swait.ge [sflag:s18], $0x1200  }
0xd9: {  	[sflag:s18] =	ssyncset.done $0x0  }
0xda: {  	[sflag:s18] =	ssyncadd.s32 $0xFFFFEE00  }
0xdb: {  	_ =	swait.ge [sflag:s15], $0x1200  }
0xdc: {  	s0 =	simm.s32 @p2 $0x6200;
	[sflag:s15] =	ssyncset.done $0x0  }
0xdd: {  	[sflag:s15] =	ssyncadd.s32 $0xFFFFEE00  }
0xde: {  	[spmem:s3] =	stream.indirect.scatter.add.f32 @p2 [tilespmem:s0], [sflag:$0x9], $0x90, s28, s9, $0xb8;
	[tilespmem:$0x1F790] =	vst v63  }
0xdf: {  	_ =	swait.ge @p2 [sflag:s19], $0x1200  }
0xe0: {  	s0 =	simm.s32 @p2 $0x7;
	[sflag:s19] =	ssyncset.done @p2 $0x0  }
0xe1: {  	[sflag:s19] =	ssyncadd.s32 @p2 $0xFFFFEE00;
	s19 =	simm.s32 $0x800  }
0xe2: {  	_ =	swait.ge @p2 [sflag:s0], $0x1200  }
0xe3: {  	s4 =	simm.s32 @!p2 $0x5000;
	[sflag:s0] =	ssyncset.done @p2 $0x0  }
0xe4: {  	[sflag:s0] =	ssyncadd.s32 @p2 $0xFFFFEE00;
	s0 =	simm.s32 @!p2 $0x6200  }
0xe5: {  	[tilespmem:s4], [sflag:$0x5] =	stream.indirect.gather @!p2 [hbm4b:s7+s2], $0x90, s25, s2, $0xb8;
	[tilespmem:$0x1F790] =	vst v63  }
0xe6: {  	_ = 	snop  }
0xe7: {  	[spmem:s3] =	stream.indirect.scatter.add.f32 @!p2 [tilespmem:s0], [sflag:$0x9], $0x90, s26, s2, $0xb8;
	[tilespmem:$0x1F790] =	vst v63  }
0xe8: {  	_ =	swait.ge @!p2 [sflag:s23], $0x1200  }
0xe9: {  	s4 =	simm.s32 @!p2 $0x7;
	[sflag:s23] =	ssyncset.done @!p2 $0x0  }
0xea: {  	[sflag:s23] =	ssyncadd.s32 @!p2 $0xFFFFEE00  }
0xeb: {  	_ =	swait.ge @!p2 [sflag:s4], $0x1200  }
0xec: {  	[sflag:s4] =	ssyncset.done @!p2 $0x0  }
0xed: {  	[sflag:s4] =	ssyncadd.s32 @!p2 $0xFFFFEE00;
	s4 =	sadd.s32 $0x4C0, s1  }
0xee: {  	[tilespmem:s0], [sflag:$0x6] =	stream.indirect.gather @!p2 [hbm4b:s7+s2], $0x90, s22, s2, $0xb8;
	[tilespmem:$0x1F790] =	vst v63  }
0xef: {  	s22 =	simm.s32 $0x7400;
	_ =	sdelay $0x1  }
0xf0: {  	[spmem:s3] =	stream.indirect.scatter.add.f32 [tilespmem:s22], [sflag:$0x9], $0x90, s4, s20, $0xb8;
	[tilespmem:$0x1F790] =	vst v63  }
0xf1: {  	_ =	swait.ge [sflag:s18], $0x1200  }
0xf2: {  	[sflag:s18] =	ssyncset.done $0x0  }
0xf3: {  	[sflag:s18] =	ssyncadd.s32 $0xFFFFEE00  }
0xf4: {  	_ =	swait.ge [sflag:s16], $0x1200  }
0xf5: {  	s0 =	simm.s32 @!p2 $0x7400;
	[sflag:s16] =	ssyncset.done $0x0  }
.Ltmp3:
0xf6: {  	s1 =	sadd.s32 $0x4E0, s1;
	[sflag:s16] =	ssyncadd.s32 $0xFFFFEE00;
	(pc) =	sbr.rel @p1 .LBB2_7-.Ltmp3, $4  }
0xf7: {  	[tilespmem:s0], [sflag:$0x7] =	stream.indirect.gather @!p2 [hbm4b:s7+s2], $0x90, s8, s2, $0xb8;
	[tilespmem:$0x1F790] =	vst v63  }
0xf8: {  	_ = 	snop  }
0xf9: {  	[spmem:s3] =	stream.indirect.scatter.add.f32 [tilespmem:s12], [sflag:$0x9], $0x90, s1, s20, $0xb8;
	[tilespmem:$0x1F790] =	vst v63  }
0xfa: {  	_ =	swait.ge [sflag:s18], $0x1200  }
0xfb: {  	s1 =	rddreg [dreg:$0x11]  }
0xfc: {  	s1 =	sadd.s32 $0x1, s1  }
0xfd: {  	p1 =	sne.s32 s1, $0x14  }
.Ltmp4:
0xfe: {  	_ = 	snop;
	(pc) =	sbr.rel @p1 .LBB2_6-.Ltmp4, $3  }
0xff: {  	_ =	sdelay $0x1  }
0x100: {  	[sflag:s18] =	ssyncset.done $0x0  }
0x101: {  	s29 =	rddreg [dreg:$0xb];
	s6 =	simm.s32 $0x60;
	[sflag:s18] =	ssyncadd.s32 $0xFFFFEE00  }
.Ltmp5:
0x102: {  	(pc) =	sbr.rel .LBB2_10-.Ltmp5, $3  }
0x103: {  	_ =	sdelay $0x1  }
0x104: {  	s0 =	rddreg [dreg:$0xa]  }
0x105: {  	s8 =	rddreg [dreg:$0x5]  }
.LBB2_2:
0x106: {  	s28 =	sshll.u32 s0, $0xA  }
0x107: {  	[dreg:$0x10] =	wrdreg s0;
	s0 =	sadd.s32 s29, s28  }
0x108: {  	s1 =	rddreg [dreg:$0x1];
	s0 =	sshrl.u32 s0, $0x3  }
0x109: {  	s2 =	simm.s32 $0x0;
	s1 =	sadd.s32 s1, s0  }
0x10a: {  	[tilespmem:s2], [sflag:$0x9] =	stream.linear.gather [hbm4b:s1+s2], $0x400, $0x38;
	[tilespmem:$0x1F790] =	vst v63  }
0x10b: {  	_ =	swait.ge [sflag:s18], $0x400  }
0x10c: {  	[sflag:s18] =	ssyncset.done $0x0  }
0x10d: {  	[sflag:s18] =	ssyncadd.s32 $0xFFFFFC00  }
0x10e: {  	s30 =	rddreg [dreg:$0x2]  }
0x10f: {  	s31 =	simm.s32 $0x400;
	s0 =	sadd.s32 s30, s0  }
0x110: {  	[tilespmem:s31], [sflag:$0x9] =	stream.linear.gather [hbm4b:s0+s2], $0x400, $0x38;
	[tilespmem:$0x1F790] =	vst v63  }
0x111: {  	_ =	swait.ge [sflag:s18], $0x400  }
0x112: {  	[sflag:s18] =	ssyncset.done $0x0  }
0x113: {  	[sflag:s18] =	ssyncadd.s32 $0xFFFFFC00  }
0x114: {  	[tilespmem:s19], [sflag:$0x1] =	stream.indirect.gather [hbm4b:s5+s20], $0x90, s2, s20, $0xb8;
	[tilespmem:$0x1F790] =	vst v63  }
0x115: {  	s1 =	simm.s32 $0x1A00  }
0x116: {  	[tilespmem:s1], [sflag:$0x2] =	stream.indirect.gather [hbm4b:s5+s20], $0x90, s20, s20, $0xb8;
	[tilespmem:$0x1F790] =	vst v63  }
0x117: {  	s2 =	simm.s32 $0x40  }
0x118: {  	[tilespmem:s21], [sflag:$0x3] =	stream.indirect.gather [hbm4b:s5+s20], $0x90, s2, s20, $0xb8;
	[tilespmem:$0x1F790] =	vst v63  }
0x119: {  	s4 =	simm.s32 $0x3E00  }
0x11a: {  	[tilespmem:s4], [sflag:$0x4] =	stream.indirect.gather [hbm4b:s5+s20], $0x90, s6, s20, $0xb8;
	[tilespmem:$0x1F790] =	vst v63  }
0x11b: {  	s8 =	simm.s32 $0x80  }
0x11c: {  	[tilespmem:s24], [sflag:$0x5] =	stream.indirect.gather [hbm4b:s5+s20], $0x90, s8, s20, $0xb8;
	[tilespmem:$0x1F790] =	vst v63  }
0x11d: {  	s9 =	simm.s32 $0xA0;
	s13 =	simm.s32 $0x6200  }
0x11e: {  	[tilespmem:s13], [sflag:$0x6] =	stream.indirect.gather [hbm4b:s5+s20], $0x90, s9, s20, $0xb8;
	[tilespmem:$0x1F790] =	vst v63  }
0x11f: {  	s17 =	simm.s32 $0xC0  }
0x120: {  	[tilespmem:s22], [sflag:$0x7] =	stream.indirect.gather [hbm4b:s5+s20], $0x90, s17, s20, $0xb8;
	[tilespmem:$0x1F790] =	vst v63  }
0x121: {  	_ =	swait.ge [sflag:s11], $0x1200  }
0x122: {  	[sflag:s11] =	ssyncset.done $0x0  }
0x123: {  	s23 =	simm.s32 $0xE0;
	[sflag:s11] =	ssyncadd.s32 $0xFFFFEE00  }
0x124: {  	[tilespmem:s12], [sflag:$0x8] =	stream.indirect.gather [hbm4b:s5+s20], $0x90, s23, s20, $0xb8;
	[tilespmem:$0x1F790] =	vst v63  }
0x125: {  	s25 =	simm.s32 $0x400  }
0x126: {  	[spmem:s3] =	stream.indirect.scatter.add.f32 [tilespmem:s19], [sflag:$0x9], $0x90, s25, s20, $0xb8;
	[tilespmem:$0x1F790] =	vst v63  }
0x127: {  	_ =	swait.ge [sflag:s18], $0x1200  }
0x128: {  	[sflag:s18] =	ssyncset.done $0x0  }
0x129: {  	[sflag:s18] =	ssyncadd.s32 $0xFFFFEE00  }
0x12a: {  	p1 =	por $0x0, $0x0;
	_ =	swait.ge [sflag:s10], $0x1200  }
0x12b: {  	s0 =	simm.s32 @p1 $0x20;
	[sflag:s10] =	ssyncset.done $0x0  }
0x12c: {  	s1 =	simm.s32 @p1 $0x420;
	s2 =	simm.s32 @p1 $0x1A00;
	[sflag:s10] =	ssyncadd.s32 $0xFFFFEE00  }
0x12d: {  	[spmem:s3] =	stream.indirect.scatter.add.f32 @p1 [tilespmem:s2], [sflag:$0x9], $0x90, s1, s0, $0xb8;
	[tilespmem:$0x1F790] =	vst v63  }
0x12e: {  	s2 =	simm.s32 @p1 $0x9  }
0x12f: {  	_ =	swait.ge @p1 [sflag:s2], $0x1200  }
0x130: {  	[sflag:s2] =	ssyncset.done @p1 $0x0  }
0x131: {  	s4 =	simm.s32 @p1 $0x3;
	[sflag:s2] =	ssyncadd.s32 @p1 $0xFFFFEE00  }
0x132: {  	_ =	swait.ge @p1 [sflag:s4], $0x1200  }
0x133: {  	s8 =	simm.s32 @!p1 $0x100;
	[sflag:s4] =	ssyncset.done @p1 $0x0  }
0x134: {  	s9 =	simm.s32 @!p1 $0x800;
	s1 =	simm.s32 @!p1 $0x20;
	[sflag:s4] =	ssyncadd.s32 @p1 $0xFFFFEE00  }
0x135: {  	[tilespmem:s9], [sflag:$0x1] =	stream.indirect.gather @!p1 [hbm4b:s5+s1], $0x90, s8, s1, $0xb8;
	[tilespmem:$0x1F790] =	vst v63  }
0x136: {  	s4 =	simm.s32 @!p1 $0x9;
	s8 =	simm.s32 @!p1 $0x420;
	s9 =	simm.s32 @!p1 $0x1A00  }
0x137: {  	[spmem:s3] =	stream.indirect.scatter.add.f32 @!p1 [tilespmem:s9], [sflag:$0x9], $0x90, s8, s1, $0xb8;
	[tilespmem:$0x1F790] =	vst v63  }
0x138: {  	_ =	swait.ge @!p1 [sflag:s4], $0x1200  }
0x139: {  	[sflag:s4] =	ssyncset.done @!p1 $0x0  }
0x13a: {  	s8 =	simm.s32 @!p1 $0x3;
	[sflag:s4] =	ssyncadd.s32 @!p1 $0xFFFFEE00  }
0x13b: {  	_ =	swait.ge @!p1 [sflag:s8], $0x1200  }
0x13c: {  	[sflag:s8] =	ssyncset.done @!p1 $0x0  }
0x13d: {  	[sflag:s8] =	ssyncadd.s32 @!p1 $0xFFFFEE00;
	s8 =	simm.s32 @!p1 $0x120  }
0x13e: {  	[tilespmem:s9], [sflag:$0x2] =	stream.indirect.gather @!p1 [hbm4b:s5+s1], $0x90, s8, s1, $0xb8;
	[tilespmem:$0x1F790] =	vst v63  }
0x13f: {  	s26 =	simm.s32 $0x440  }
0x140: {  	[spmem:s3] =	stream.indirect.scatter.add.f32 [tilespmem:s21], [sflag:$0x9], $0x90, s26, s20, $0xb8;
	[tilespmem:$0x1F790] =	vst v63  }
0x141: {  	_ =	swait.ge [sflag:s18], $0x1200  }
0x142: {  	[sflag:s18] =	ssyncset.done $0x0  }
0x143: {  	[sflag:s18] =	ssyncadd.s32 $0xFFFFEE00  }
0x144: {  	_ =	swait.ge [sflag:s14], $0x1200  }
0x145: {  	[sflag:s14] =	ssyncset.done $0x0  }
0x146: {  	s8 =	simm.s32 @p1 $0x460;
	s9 =	simm.s32 @p1 $0x3E00;
	[sflag:s14] =	ssyncadd.s32 $0xFFFFEE00  }
0x147: {  	[spmem:s3] =	stream.indirect.scatter.add.f32 @p1 [tilespmem:s9], [sflag:$0x9], $0x90, s8, s0, $0xb8;
	[tilespmem:$0x1F790] =	vst v63  }
0x148: {  	_ =	swait.ge @p1 [sflag:s2], $0x1200  }
0x149: {  	[sflag:s2] =	ssyncset.done @p1 $0x0  }
0x14a: {  	s8 =	simm.s32 @p1 $0x5;
	[sflag:s2] =	ssyncadd.s32 @p1 $0xFFFFEE00  }
0x14b: {  	_ =	swait.ge @p1 [sflag:s8], $0x1200  }
0x14c: {  	[sflag:s8] =	ssyncset.done @p1 $0x0  }
0x14d: {  	s9 =	simm.s32 @!p1 $0x140;
	[sflag:s8] =	ssyncadd.s32 @p1 $0xFFFFEE00;
	s8 =	simm.s32 @!p1 $0x2C00  }
0x14e: {  	[tilespmem:s8], [sflag:$0x3] =	stream.indirect.gather @!p1 [hbm4b:s5+s1], $0x90, s9, s1, $0xb8;
	[tilespmem:$0x1F790] =	vst v63  }
0x14f: {  	s8 =	simm.s32 @!p1 $0x460;
	s9 =	simm.s32 @!p1 $0x3E00  }
0x150: {  	[spmem:s3] =	stream.indirect.scatter.add.f32 @!p1 [tilespmem:s9], [sflag:$0x9], $0x90, s8, s1, $0xb8;
	[tilespmem:$0x1F790] =	vst v63  }
0x151: {  	_ =	swait.ge @!p1 [sflag:s4], $0x1200  }
0x152: {  	[sflag:s4] =	ssyncset.done @!p1 $0x0  }
0x153: {  	s8 =	simm.s32 @!p1 $0x5;
	[sflag:s4] =	ssyncadd.s32 @!p1 $0xFFFFEE00  }
0x154: {  	_ =	swait.ge @!p1 [sflag:s8], $0x1200  }
0x155: {  	[sflag:s8] =	ssyncset.done @!p1 $0x0  }
0x156: {  	[sflag:s8] =	ssyncadd.s32 @!p1 $0xFFFFEE00;
	s8 =	simm.s32 @!p1 $0x160  }
0x157: {  	[tilespmem:s9], [sflag:$0x4] =	stream.indirect.gather @!p1 [hbm4b:s5+s1], $0x90, s8, s1, $0xb8;
	[tilespmem:$0x1F790] =	vst v63  }
0x158: {  	s28 =	simm.s32 $0x480  }
0x159: {  	[spmem:s3] =	stream.indirect.scatter.add.f32 [tilespmem:s24], [sflag:$0x9], $0x90, s28, s20, $0xb8;
	[tilespmem:$0x1F790] =	vst v63  }
0x15a: {  	_ =	swait.ge [sflag:s18], $0x1200  }
0x15b: {  	[sflag:s18] =	ssyncset.done $0x0  }
0x15c: {  	[sflag:s18] =	ssyncadd.s32 $0xFFFFEE00  }
0x15d: {  	_ =	swait.ge [sflag:s15], $0x1200  }
0x15e: {  	[sflag:s15] =	ssyncset.done $0x0  }
0x15f: {  	s8 =	simm.s32 @p1 $0x4A0;
	s9 =	simm.s32 @p1 $0x6200;
	[sflag:s15] =	ssyncadd.s32 $0xFFFFEE00  }
0x160: {  	[spmem:s3] =	stream.indirect.scatter.add.f32 @p1 [tilespmem:s9], [sflag:$0x9], $0x90, s8, s0, $0xb8;
	[tilespmem:$0x1F790] =	vst v63  }
0x161: {  	_ =	swait.ge @p1 [sflag:s2], $0x1200  }
0x162: {  	[sflag:s2] =	ssyncset.done @p1 $0x0  }
0x163: {  	s0 =	simm.s32 @p1 $0x7;
	[sflag:s2] =	ssyncadd.s32 @p1 $0xFFFFEE00  }
0x164: {  	_ =	swait.ge @p1 [sflag:s0], $0x1200  }
0x165: {  	[sflag:s0] =	ssyncset.done @p1 $0x0  }
0x166: {  	s2 =	simm.s32 @!p1 $0x180;
	[sflag:s0] =	ssyncadd.s32 @p1 $0xFFFFEE00;
	s0 =	simm.s32 @!p1 $0x5000  }
0x167: {  	[tilespmem:s0], [sflag:$0x5] =	stream.indirect.gather @!p1 [hbm4b:s5+s1], $0x90, s2, s1, $0xb8;
	[tilespmem:$0x1F790] =	vst v63  }
0x168: {  	s0 =	simm.s32 @!p1 $0x4A0;
	s2 =	simm.s32 @!p1 $0x6200  }
0x169: {  	[spmem:s3] =	stream.indirect.scatter.add.f32 @!p1 [tilespmem:s2], [sflag:$0x9], $0x90, s0, s1, $0xb8;
	[tilespmem:$0x1F790] =	vst v63  }
0x16a: {  	_ =	swait.ge @!p1 [sflag:s4], $0x1200  }
0x16b: {  	[sflag:s4] =	ssyncset.done @!p1 $0x0  }
0x16c: {  	s0 =	simm.s32 @!p1 $0x7;
	[sflag:s4] =	ssyncadd.s32 @!p1 $0xFFFFEE00  }
0x16d: {  	_ =	swait.ge @!p1 [sflag:s0], $0x1200  }
0x16e: {  	[sflag:s0] =	ssyncset.done @!p1 $0x0  }
0x16f: {  	[sflag:s0] =	ssyncadd.s32 @!p1 $0xFFFFEE00;
	s0 =	simm.s32 @!p1 $0x1A0  }
0x170: {  	[tilespmem:s2], [sflag:$0x6] =	stream.indirect.gather @!p1 [hbm4b:s5+s1], $0x90, s0, s1, $0xb8;
	[tilespmem:$0x1F790] =	vst v63  }
0x171: {  	s30 =	simm.s32 $0x4C0  }
0x172: {  	[spmem:s3] =	stream.indirect.scatter.add.f32 [tilespmem:s22], [sflag:$0x9], $0x90, s30, s20, $0xb8;
	[tilespmem:$0x1F790] =	vst v63  }
0x173: {  	_ =	swait.ge [sflag:s18], $0x1200  }
0x174: {  	[sflag:s18] =	ssyncset.done $0x0  }
0x175: {  	[sflag:s18] =	ssyncadd.s32 $0xFFFFEE00  }
0x176: {  	_ =	swait.ge [sflag:s16], $0x1200  }
0x177: {  	[sflag:s16] =	ssyncset.done $0x0  }
0x178: {  	s0 =	simm.s32 @!p1 $0x1C0;
	s2 =	simm.s32 @!p1 $0x7400;
	[sflag:s16] =	ssyncadd.s32 $0xFFFFEE00  }
0x179: {  	[tilespmem:s2], [sflag:$0x7] =	stream.indirect.gather @!p1 [hbm4b:s5+s1], $0x90, s0, s1, $0xb8;
	[tilespmem:$0x1F790] =	vst v63  }
0x17a: {  	s31 =	simm.s32 $0x4E0  }
0x17b: {  	[spmem:s3] =	stream.indirect.scatter.add.f32 [tilespmem:s12], [sflag:$0x9], $0x90, s31, s20, $0xb8;
	[tilespmem:$0x1F790] =	vst v63  }
0x17c: {  	s4 =	simm.s32 $0x400;
	_ =	swait.ge [sflag:s18], $0x1200  }
.LBB2_3:
0x17d: {  	[sflag:s18] =	ssyncset.done $0x0;
	s0 =	smov.u32 s4;
	s4 =	sadd.s32 $0x400, s4  }
0x17e: {  	p1 =	sne.s32 s4, $0x1000;
	[sflag:s18] =	ssyncadd.s32 $0xFFFFEE00  }
0x17f: {  	_ =	swait.ge [sflag:s11], $0x1200  }
0x180: {  	s1 =	sshra.s32 s0, $0x2;
	[sflag:s11] =	ssyncset.done $0x0  }
0x181: {  	s2 =	sadd.s32 $0xE0, s1;
	[sflag:s11] =	ssyncadd.s32 $0xFFFFEE00  }
0x182: {  	[tilespmem:s12], [sflag:$0x8] =	stream.indirect.gather [hbm4b:s5+s20], $0x90, s2, s20, $0xb8;
	[tilespmem:$0x1F790] =	vst v63  }
0x183: {  	s2 =	sadd.s32 $0x400, s1  }
0x184: {  	[spmem:s3] =	stream.indirect.scatter.add.f32 [tilespmem:s19], [sflag:$0x9], $0x90, s2, s20, $0xb8;
	[tilespmem:$0x1F790] =	vst v63  }
0x185: {  	_ =	swait.ge [sflag:s18], $0x1200  }
0x186: {  	[sflag:s18] =	ssyncset.done $0x0  }
0x187: {  	[sflag:s18] =	ssyncadd.s32 $0xFFFFEE00  }
0x188: {  	p2 =	seq.s32 s0, $0xC00;
	_ =	swait.ge [sflag:s10], $0x1200  }
0x189: {  	s9 =	simm.s32 @p2 $0x20;
	s2 =	sshra.s32 @p2 s0, $0x2;
	[sflag:s10] =	ssyncset.done $0x0  }
0x18a: {  	s13 =	simm.s32 @p2 $0x1A00;
	s8 =	sadd.s32 @p2 $0x420, s2;
	[sflag:s10] =	ssyncadd.s32 $0xFFFFEE00  }
0x18b: {  	[spmem:s3] =	stream.indirect.scatter.add.f32 @p2 [tilespmem:s13], [sflag:$0x9], $0x90, s8, s9, $0xb8;
	[tilespmem:$0x1F790] =	vst v63  }
0x18c: {  	s19 =	simm.s32 @p2 $0x9;
	s8 =	sshra.s32 @!p2 s0, $0x2;
	s13 =	sadd.s32 @p2 $0x460, s2  }
0x18d: {  	s22 =	sadd.s32 @!p2 $0x100, s8;
	s17 =	sadd.s32 @!p2 $0x420, s8;
	_ =	swait.ge @p2 [sflag:s19], $0x1200  }
0x18e: {  	s23 =	simm.s32 @p2 $0x3;
	s21 =	sadd.s32 @!p2 $0x120, s8;
	[sflag:s19] =	ssyncset.done @p2 $0x0  }
0x18f: {  	s0 =	sadd.s32 @!p2 $0x140, s8;
	s31 =	sadd.s32 @!p2 $0x460, s8;
	[sflag:s19] =	ssyncadd.s32 @p2 $0xFFFFEE00  }
0x190: {  	s28 =	sadd.s32 @p2 $0x4A0, s2;
	s30 =	sadd.s32 @!p2 $0x160, s8;
	_ =	swait.ge @p2 [sflag:s23], $0x1200  }
0x191: {  	s26 =	simm.s32 @!p2 $0x800;
	s2 =	simm.s32 @!p2 $0x20;
	[sflag:s23] =	ssyncset.done @p2 $0x0  }
0x192: {  	s24 =	simm.s32 @!p2 $0x1A00;
	s25 =	sadd.s32 @!p2 $0x180, s8;
	[sflag:s23] =	ssyncadd.s32 @p2 $0xFFFFEE00  }
0x193: {  	[tilespmem:s26], [sflag:$0x1] =	stream.indirect.gather @!p2 [hbm4b:s5+s2], $0x90, s22, s2, $0xb8;
	[tilespmem:$0x1F790] =	vst v63  }
0x194: {  	s23 =	simm.s32 @!p2 $0x9;
	s26 =	sadd.s32 @!p2 $0x4A0, s8;
	s22 =	sadd.s32 @!p2 $0x1A0, s8  }
0x195: {  	[spmem:s3] =	stream.indirect.scatter.add.f32 @!p2 [tilespmem:s24], [sflag:$0x9], $0x90, s17, s2, $0xb8;
	[tilespmem:$0x1F790] =	vst v63  }
0x196: {  	s8 =	sadd.s32 @!p2 $0x1C0, s8;
	_ =	swait.ge @!p2 [sflag:s23], $0x1200  }
0x197: {  	s17 =	simm.s32 @!p2 $0x3;
	[sflag:s23] =	ssyncset.done @!p2 $0x0  }
0x198: {  	[sflag:s23] =	ssyncadd.s32 @!p2 $0xFFFFEE00  }
0x199: {  	_ =	swait.ge @!p2 [sflag:s17], $0x1200  }
0x19a: {  	[sflag:s17] =	ssyncset.done @!p2 $0x0  }
0x19b: {  	[sflag:s17] =	ssyncadd.s32 @!p2 $0xFFFFEE00;
	s17 =	sadd.s32 $0x440, s1  }
0x19c: {  	[tilespmem:s24], [sflag:$0x2] =	stream.indirect.gather @!p2 [hbm4b:s5+s2], $0x90, s21, s2, $0xb8;
	[tilespmem:$0x1F790] =	vst v63  }
0x19d: {  	s24 =	simm.s32 $0x5000;
	s21 =	simm.s32 $0x2C00;
	_ =	sdelay $0x1  }
0x19e: {  	[spmem:s3] =	stream.indirect.scatter.add.f32 [tilespmem:s21], [sflag:$0x9], $0x90, s17, s20, $0xb8;
	[tilespmem:$0x1F790] =	vst v63  }
0x19f: {  	_ =	swait.ge [sflag:s18], $0x1200  }
0x1a0: {  	[sflag:s18] =	ssyncset.done $0x0  }
0x1a1: {  	[sflag:s18] =	ssyncadd.s32 $0xFFFFEE00  }
0x1a2: {  	_ =	swait.ge [sflag:s14], $0x1200  }
0x1a3: {  	s17 =	simm.s32 @p2 $0x3E00;
	[sflag:s14] =	ssyncset.done $0x0  }
0x1a4: {  	[sflag:s14] =	ssyncadd.s32 $0xFFFFEE00  }
0x1a5: {  	[spmem:s3] =	stream.indirect.scatter.add.f32 @p2 [tilespmem:s17], [sflag:$0x9], $0x90, s13, s9, $0xb8;
	[tilespmem:$0x1F790] =	vst v63  }
0x1a6: {  	_ =	swait.ge @p2 [sflag:s19], $0x1200  }
0x1a7: {  	s13 =	simm.s32 @p2 $0x5;
	[sflag:s19] =	ssyncset.done @p2 $0x0  }
0x1a8: {  	[sflag:s19] =	ssyncadd.s32 @p2 $0xFFFFEE00  }
0x1a9: {  	_ =	swait.ge @p2 [sflag:s13], $0x1200  }
0x1aa: {  	s17 =	simm.s32 @!p2 $0x2C00;
	[sflag:s13] =	ssyncset.done @p2 $0x0  }
0x1ab: {  	[sflag:s13] =	ssyncadd.s32 @p2 $0xFFFFEE00;
	s13 =	simm.s32 @!p2 $0x3E00  }
0x1ac: {  	[tilespmem:s17], [sflag:$0x3] =	stream.indirect.gather @!p2 [hbm4b:s5+s2], $0x90, s0, s2, $0xb8;
	[tilespmem:$0x1F790] =	vst v63  }
0x1ad: {  	_ = 	snop  }
0x1ae: {  	[spmem:s3] =	stream.indirect.scatter.add.f32 @!p2 [tilespmem:s13], [sflag:$0x9], $0x90, s31, s2, $0xb8;
	[tilespmem:$0x1F790] =	vst v63  }
0x1af: {  	_ =	swait.ge @!p2 [sflag:s23], $0x1200  }
0x1b0: {  	s0 =	simm.s32 @!p2 $0x5;
	[sflag:s23] =	ssyncset.done @!p2 $0x0  }
0x1b1: {  	[sflag:s23] =	ssyncadd.s32 @!p2 $0xFFFFEE00  }
0x1b2: {  	_ =	swait.ge @!p2 [sflag:s0], $0x1200  }
0x1b3: {  	[sflag:s0] =	ssyncset.done @!p2 $0x0  }
0x1b4: {  	[sflag:s0] =	ssyncadd.s32 @!p2 $0xFFFFEE00;
	s0 =	sadd.s32 $0x480, s1  }
0x1b5: {  	[tilespmem:s13], [sflag:$0x4] =	stream.indirect.gather @!p2 [hbm4b:s5+s2], $0x90, s30, s2, $0xb8;
	[tilespmem:$0x1F790] =	vst v63  }
0x1b6: {  	_ = 	snop  }
0x1b7: {  	[spmem:s3] =	stream.indirect.scatter.add.f32 [tilespmem:s24], [sflag:$0x9], $0x90, s0, s20, $0xb8;
	[tilespmem:$0x1F790] =	vst v63  }
0x1b8: {  	_ =	swait.ge [sflag:s18], $0x1200  }
0x1b9: {  	[sflag:s18] =	ssyncset.done $0x0  }
0x1ba: {  	[sflag:s18] =	ssyncadd.s32 $0xFFFFEE00  }
0x1bb: {  	_ =	swait.ge [sflag:s15], $0x1200  }
0x1bc: {  	s0 =	simm.s32 @p2 $0x6200;
	[sflag:s15] =	ssyncset.done $0x0  }
0x1bd: {  	[sflag:s15] =	ssyncadd.s32 $0xFFFFEE00  }
0x1be: {  	[spmem:s3] =	stream.indirect.scatter.add.f32 @p2 [tilespmem:s0], [sflag:$0x9], $0x90, s28, s9, $0xb8;
	[tilespmem:$0x1F790] =	vst v63  }
0x1bf: {  	_ =	swait.ge @p2 [sflag:s19], $0x1200  }
0x1c0: {  	s0 =	simm.s32 @p2 $0x7;
	[sflag:s19] =	ssyncset.done @p2 $0x0  }
0x1c1: {  	[sflag:s19] =	ssyncadd.s32 @p2 $0xFFFFEE00;
	s19 =	simm.s32 $0x800  }
0x1c2: {  	_ =	swait.ge @p2 [sflag:s0], $0x1200  }
0x1c3: {  	s9 =	simm.s32 @!p2 $0x5000;
	[sflag:s0] =	ssyncset.done @p2 $0x0  }
0x1c4: {  	[sflag:s0] =	ssyncadd.s32 @p2 $0xFFFFEE00;
	s0 =	simm.s32 @!p2 $0x6200  }
0x1c5: {  	[tilespmem:s9], [sflag:$0x5] =	stream.indirect.gather @!p2 [hbm4b:s5+s2], $0x90, s25, s2, $0xb8;
	[tilespmem:$0x1F790] =	vst v63  }
0x1c6: {  	_ = 	snop  }
0x1c7: {  	[spmem:s3] =	stream.indirect.scatter.add.f32 @!p2 [tilespmem:s0], [sflag:$0x9], $0x90, s26, s2, $0xb8;
	[tilespmem:$0x1F790] =	vst v63  }
0x1c8: {  	_ =	swait.ge @!p2 [sflag:s23], $0x1200  }
0x1c9: {  	s9 =	simm.s32 @!p2 $0x7;
	[sflag:s23] =	ssyncset.done @!p2 $0x0  }
0x1ca: {  	[sflag:s23] =	ssyncadd.s32 @!p2 $0xFFFFEE00  }
0x1cb: {  	_ =	swait.ge @!p2 [sflag:s9], $0x1200  }
0x1cc: {  	[sflag:s9] =	ssyncset.done @!p2 $0x0  }
0x1cd: {  	[sflag:s9] =	ssyncadd.s32 @!p2 $0xFFFFEE00;
	s9 =	sadd.s32 $0x4C0, s1  }
0x1ce: {  	[tilespmem:s0], [sflag:$0x6] =	stream.indirect.gather @!p2 [hbm4b:s5+s2], $0x90, s22, s2, $0xb8;
	[tilespmem:$0x1F790] =	vst v63  }
0x1cf: {  	s22 =	simm.s32 $0x7400;
	_ =	sdelay $0x1  }
0x1d0: {  	[spmem:s3] =	stream.indirect.scatter.add.f32 [tilespmem:s22], [sflag:$0x9], $0x90, s9, s20, $0xb8;
	[tilespmem:$0x1F790] =	vst v63  }
0x1d1: {  	_ =	swait.ge [sflag:s18], $0x1200  }
0x1d2: {  	[sflag:s18] =	ssyncset.done $0x0  }
0x1d3: {  	[sflag:s18] =	ssyncadd.s32 $0xFFFFEE00  }
0x1d4: {  	_ =	swait.ge [sflag:s16], $0x1200  }
0x1d5: {  	s0 =	simm.s32 @!p2 $0x7400;
	[sflag:s16] =	ssyncset.done $0x0  }
.Ltmp6:
0x1d6: {  	s1 =	sadd.s32 $0x4E0, s1;
	[sflag:s16] =	ssyncadd.s32 $0xFFFFEE00;
	(pc) =	sbr.rel @p1 .LBB2_3-.Ltmp6, $4  }
0x1d7: {  	[tilespmem:s0], [sflag:$0x7] =	stream.indirect.gather @!p2 [hbm4b:s5+s2], $0x90, s8, s2, $0xb8;
	[tilespmem:$0x1F790] =	vst v63  }
0x1d8: {  	_ = 	snop  }
0x1d9: {  	[spmem:s3] =	stream.indirect.scatter.add.f32 [tilespmem:s12], [sflag:$0x9], $0x90, s1, s20, $0xb8;
	[tilespmem:$0x1F790] =	vst v63  }
0x1da: {  	_ =	swait.ge [sflag:s18], $0x1200  }
0x1db: {  	s0 =	rddreg [dreg:$0x10]  }
0x1dc: {  	s0 =	sadd.s32 $0x1, s0  }
0x1dd: {  	p1 =	seq.s32 s0, $0x14  }
.Ltmp7:
0x1de: {  	_ = 	snop;
	(pc) =	sbr.rel @!p1 .LBB2_2-.Ltmp7, $3  }
0x1df: {  	_ =	sdelay $0x1  }
0x1e0: {  	[sflag:s18] =	ssyncset.done $0x0  }
0x1e1: {  	[sflag:s18] =	ssyncadd.s32 $0xFFFFEE00  }
.Ltmp8:
0x1e2: {  	(pc) =	sbr.rel .LBB2_10-.Ltmp8, $3  }
0x1e3: {  	_ =	sdelay $0x1  }
0x1e4: {  	s0 =	rddreg [dreg:$0x9]  }
0x1e5: {  	s8 =	rddreg [dreg:$0x5]  }
.LBB2_11:
0x1e6: {  	_ =	sfence.sel $0x180000  }
0x1e7: {  	[bflag:$0x0] =	sbarrier.arrive $0xFFFF  }
0x1e8: {  	_ =	strace $0x90000047  }
0x1e9: {  	s0 =	stileid.u32;
	[bflag:$0x2] =	sbarrier.arrive $0xFFFF  }
0x1ea: {  	p0 =	sne.s32 s0, $0x0;
	s0 =	rddreg [dreg:$0x4]  }
0x1eb: {  	s0 =	sadd.s32 @!p0 $0x100000, s0  }
0x1ec: {  	[sflag:s0] =	ssyncadd.tile.s32 @!p0 $0x1;
	_ =	shalt  }
.Lfunc_end2:
_tile_overlayer_lowered:
.L_overlay_start_2:
0x1ed: {  	(tag) =	ssettag $0x2  }
0x1ee: {  	s0 =	rddreg [dreg:$0x0];
	s2 =	stileid.u32  }
0x1ef: {  	s1 =	rddreg [dreg:$0x1];
	p0 =	sne.s32 s2, $0x0  }
0x1f0: {  	s3 =	rddreg [dreg:$0x2];
	[bflag:$0x3] =	sbarrier.arrive $0xFFFF;
	s2 =	simm.s32 @!p0 $0x1C09  }
0x1f1: {  	[timem:s3], [sflag:s2] =	dma.local @!p0 [hbm:s0], s1  }
0x1f2: {  	s0 =	simm.s32 @!p0 $0x9  }
0x1f3: {  	_ =	swait.ge @!p0 [sflag:s0], s1  }
0x1f4: {  	s1 =	ssub.s32 @!p0 $0x0, s1;
	[sflag:s0] =	ssyncset.done @!p0 $0x0  }
0x1f5: {  	[sflag:s0] =	ssyncadd.s32 @!p0 s1  }
0x1f6: {  	[bflag:$0x3] =	sbarrier.arrive $0xFFFF  }
0x1f7: {  	_ =	shalt  }

</sc_bundles>
